<compile_context>
chip_gen: v7x
topology: tpu7x:2x2x1
jax: 0.10.2.dev20260603
libtpu: 0.0.44.dev20260713+nightly
codegen_flags: <defaults>
</compile_context>

<pallas_src>
import jax
import jax.numpy as jnp
from jax import lax
from jax.experimental import pallas as pl
from jax.experimental.pallas import tpu as pltpu
from jax.experimental.pallas import tpu_sc as plsc

NUM_BINS = 5
BATCH = 16384

_HALF_LOG_2PI = 0.9189385332046727
_CF_ITERS = 4
_FPMIN = 1e-30


_NC = 2
_NS = 16
_NW = _NC * _NS
_BPW = BATCH // _NW


def _sc_gather_body(idx_hbm, b0, b1, b2, b3, b4,
                    out_hbm, idx_v, rows_v, sem):
    tbins = (b0, b1, b2, b3, b4)
    wid = lax.axis_index("s") * _NC + lax.axis_index("c")
    base = wid * _BPW
    pltpu.sync_copy(idx_hbm.at[pl.ds(base, _BPW)], idx_v)
    cps = []
    for k in range(NUM_BINS):
        cps.append(pltpu.async_copy(tbins[k].at[idx_v],
                                    rows_v.at[pl.ds(k * _BPW, _BPW)], sem))
    for cp in cps:
        cp.wait()
    for k in range(NUM_BINS):
        pltpu.sync_copy(rows_v.at[pl.ds(k * _BPW, _BPW)],
                        out_hbm.at[k, pl.ds(base, _BPW)])


def _sc_gather(idx, t_bins):
    mesh = plsc.VectorSubcoreMesh(core_axis_name="c", subcore_axis_name="s")
    f = pl.kernel(
        _sc_gather_body,
        mesh=mesh,
        compiler_params=pltpu.CompilerParams(use_tc_tiling_on_sc=False),
        out_type=jax.ShapeDtypeStruct((NUM_BINS, BATCH), jnp.float32),
        scratch_types=[
            pltpu.VMEM((_BPW,), jnp.int32),
            pltpu.VMEM((NUM_BINS * _BPW,), jnp.float32),
            pltpu.SemaphoreType.DMA,
        ],
    )
    return f(idx, *t_bins)



_NROWS = 1000000


_DETILE_BLK = 262144


def _tc_detile_body(t_ref, *out_refs):
    for k in range(NUM_BINS):
        out_refs[k][...] = t_ref[k, :]


def _tc_detile(t_t):
    nblk = pl.cdiv(_NROWS, _DETILE_BLK)
    spec_in = pl.BlockSpec((NUM_BINS, _DETILE_BLK), lambda j: (0, j))
    spec_out = pl.BlockSpec((_DETILE_BLK,), lambda j: (j,))
    return pl.pallas_call(
        _tc_detile_body,
        grid=(nblk,),
        in_specs=[spec_in],
        out_specs=[spec_out] * NUM_BINS,
        out_shape=tuple(jax.ShapeDtypeStruct((_NROWS,), jnp.float32)
                        for _ in range(NUM_BINS)),
    )(t_t)




def _lgamma_small(x):
    z = x + 6.0
    shift = (jnp.log(x) + jnp.log(x + 1.0) + jnp.log(x + 2.0)
             + jnp.log(x + 3.0) + jnp.log(x + 4.0) + jnp.log(x + 5.0))
    zi = 1.0 / z
    zi2 = zi * zi
    st = (z - 0.5) * jnp.log(z) - z + _HALF_LOG_2PI + zi * (
        1.0 / 12.0 - zi2 * (1.0 / 360.0))
    return st - shift


def _betainc_cf(a, b, x):
    a = jnp.maximum(a, 1e-12)
    b = jnp.maximum(b, 1e-12)
    thresh = (a + 1.0) / (a + b + 2.0)
    swap = x > thresh
    aa = jnp.where(swap, b, a)
    bb = jnp.where(swap, a, b)
    xx = jnp.where(swap, 1.0 - x, x)
    xx = jnp.clip(xx, _FPMIN, 1.0)
    lnpre = (aa * jnp.log(xx) + bb * jnp.log(1.0 - xx)
             + _lgamma_small(aa + bb) - _lgamma_small(aa) - _lgamma_small(bb))
    front = jnp.exp(lnpre) / aa
    qab = aa + bb
    qap = aa + 1.0
    qam = aa - 1.0
    c = jnp.ones_like(xx)
    d = 1.0 - qab * xx / qap
    d = jnp.where(jnp.abs(d) < _FPMIN, _FPMIN, d)
    d = 1.0 / d
    h = d
    for m in range(1, _CF_ITERS + 1):
        m2 = 2.0 * m
        num = m * (bb - m) * xx / ((qam + m2) * (aa + m2))
        d = 1.0 + num * d
        d = jnp.where(jnp.abs(d) < _FPMIN, _FPMIN, d)
        c = 1.0 + num / c
        c = jnp.where(jnp.abs(c) < _FPMIN, _FPMIN, c)
        d = 1.0 / d
        h = h * d * c
        num = -(aa + m) * (qab + m) * xx / ((aa + m2) * (qap + m2))
        d = 1.0 + num * d
        d = jnp.where(jnp.abs(d) < _FPMIN, _FPMIN, d)
        c = 1.0 + num / c
        c = jnp.where(jnp.abs(c) < _FPMIN, _FPMIN, c)
        d = 1.0 / d
        h = h * d * c
    res = front * h
    return jnp.where(swap, 1.0 - res, res)


def _tc_body(su_ref, si_ref, a_ref, b_ref, mass_ref, edges_ref):
    e = jnp.exp(su_ref[...] + si_ref[...])
    r0 = e[0:1, :]
    r1 = r0 + e[1:2, :]
    r2 = r1 + e[2:3, :]
    r3 = r2 + e[3:4, :]
    tot = r3 + e[4:5, :]
    inv = 1.0 / tot
    e0 = r0 * inv
    e1 = r1 * inv
    e2 = r2 * inv
    e3 = r3 * inv
    ones = jnp.ones_like(e0)
    edges_ref[...] = jnp.concatenate([e0, e1, e2, e3, ones], axis=0)
    x4 = jnp.concatenate([e0, e1, e2, e3], axis=0)
    a4 = jnp.broadcast_to(a_ref[...], x4.shape)
    b4 = jnp.broadcast_to(b_ref[...], x4.shape)
    cdf = _betainc_cf(a4, b4, x4)
    c0 = cdf[0:1, :]
    c1 = cdf[1:2, :]
    c2 = cdf[2:3, :]
    c3 = cdf[3:4, :]
    mass_ref[...] = jnp.concatenate(
        [c0, c1 - c0, c2 - c1, c3 - c2, ones - c3], axis=0)


def _tc_math(su_t, si_t, a_t, b_t, block_l=4096):
    nblk = BATCH // block_l
    spec5 = pl.BlockSpec((NUM_BINS, block_l), lambda j: (0, j))
    spec1 = pl.BlockSpec((1, block_l), lambda j: (0, j))
    return pl.pallas_call(
        _tc_body,
        grid=(nblk,),
        in_specs=[spec5, spec5, spec1, spec1],
        out_specs=[spec5, spec5],
        out_shape=(
            jax.ShapeDtypeStruct((NUM_BINS, BATCH), jnp.float32),
            jax.ShapeDtypeStruct((NUM_BINS, BATCH), jnp.float32),
        ),
    )(su_t, si_t, a_t, b_t)


def kernel(uid, iid, alpha, beta, uid_table, iid_table):
    a_t = alpha.reshape(1, BATCH)
    b_t = beta.reshape(1, BATCH)
    u_bins = _tc_detile(uid_table.T)
    su_t = _sc_gather(uid.astype(jnp.int32), u_bins)
    i_bins = _tc_detile(iid_table.T)
    si_t = _sc_gather(iid.astype(jnp.int32), i_bins)
    mass_t, edges_t = _tc_math(su_t, si_t, a_t, b_t)
    return (mass_t.T, edges_t.T)

# --- scband reference (transcript-rebuilt; emitter-appended) ---
"""Pipeline reference for scband-beta-bins-mass-adaptive-35296041239084 (READ-ONLY COPY).

The authoritative reference and input builder live on the scoring server;
editing this copy changes nothing except your own understanding.
"""

import jax, jax.numpy as jnp
import numpy as np
from jax.scipy.special import betainc

NUM_USERS = 1000000
NUM_ITEMS = 1000000
NUM_BINS = 5  # int((5 - 1) / 1.0 + 1)
BATCH = 16384


def setup_inputs(seed: int = 0) -> dict:
    key = jax.random.key(seed)
    k1, k2, k3, k4 = jax.random.split(key, 4)
    uid = jax.random.randint(k1, (BATCH,), 0, NUM_USERS)
    iid = jax.random.randint(k2, (BATCH,), 0, NUM_ITEMS)
    alpha = jax.random.uniform(k3, (BATCH, 1), dtype=jnp.float32)
    beta = jax.random.uniform(k4, (BATCH, 1), dtype=jnp.float32)
    # nn.init.ones_ on both embedding tables
    uid_table = jnp.ones((NUM_USERS, NUM_BINS), dtype=jnp.float32)
    iid_table = jnp.ones((NUM_ITEMS, NUM_BINS), dtype=jnp.float32)
    return {"uid": uid, "iid": iid, "alpha": alpha, "beta": beta,
            "uid_table": uid_table, "iid_table": iid_table}


def reference(uid, iid, alpha, beta, uid_table, iid_table):
    uid_bin_size_terms = jnp.take(uid_table, uid, axis=0)   # [B, num_bins]
    iid_bin_size_terms = jnp.take(iid_table, iid, axis=0)   # [B, num_bins]
    ui = jnp.exp(uid_bin_size_terms + iid_bin_size_terms)
    ui_norm = ui / jnp.sum(ui, axis=-1, keepdims=True)
    edges = jnp.cumsum(ui_norm, axis=-1)                    # [B, num_bins]
    n = edges.shape[-1] - 1
    a = jnp.tile(alpha, (1, n))                             # [B, num_bins-1]
    b = jnp.tile(beta, (1, n))
    # torch.special.betainc(x, a, b) == regularized I_x(a, b) == jax betainc(a, b, x)
    cdf = betainc(a, b, edges[:, :-1])
    cdf = jnp.concatenate([cdf, jnp.ones_like(a[:, :1])], axis=-1)  # [B, num_bins]
    mass = jnp.concatenate([cdf[:, :1], jnp.diff(cdf, axis=-1)], axis=-1)
    return (mass, edges)

if __name__ == "__main__":
    import jax
    _d = setup_inputs()
    print(jax.jit(kernel)(*tuple(_d.values())))

</pallas_src>

<mosaic_0001>
#map = affine_map<(d0, d1) -> (0)>
#map1 = affine_map<(d0, d1) -> (0, 0)>
module attributes {stable_mosaic.version = 14 : i64} {
  func.func @_sc_gather_body(%arg0: i32, %arg1: i32, %arg2: memref<16384xi32, #tpu.memory_space<hbm>>, %arg3: memref<1000000xf32, #tpu.memory_space<hbm>>, %arg4: memref<1000000xf32, #tpu.memory_space<hbm>>, %arg5: memref<1000000xf32, #tpu.memory_space<hbm>>, %arg6: memref<1000000xf32, #tpu.memory_space<hbm>>, %arg7: memref<1000000xf32, #tpu.memory_space<hbm>>, %arg8: memref<5x16384xf32, #tpu.memory_space<hbm>>, %arg9: memref<512xi32, #tpu.memory_space<vmem>>, %arg10: memref<2560xf32, #tpu.memory_space<vmem>>, %arg11: memref<!tpu.dma_semaphore, #tpu.memory_space<semaphore_mem>>) attributes {dimension_semantics = [#tpu.dimension_semantics<core_parallel>, #tpu.dimension_semantics<subcore_parallel>], iteration_bounds = array<i64: 2, 16>, scalar_prefetch = 0 : i64, scratch_operands = 3 : i64, tpu.core_type = #tpu.core_type<sc_vector_subcore>, window_params = [{transform_indices = #map}, {transform_indices = #map}, {transform_indices = #map}, {transform_indices = #map}, {transform_indices = #map}, {transform_indices = #map}, {transform_indices = #map1}]} {
    %mul3A = arith.constant 2 : i32
    %mul3A_0 = arith.muli %arg1, %mul3A : i32
    %add3A = arith.addi %mul3A_0, %arg0 : i32
    %mul3A_1 = arith.constant 512 : i32
    %mul3A_2 = arith.muli %add3A, %mul3A_1 : i32
    "tpu.region"() ({
      %run_scoped3A_45 = tpu.sem_alloc : memref<!tpu.dma_semaphore, #tpu.memory_space<semaphore_mem>>
      %dma_start3A_46 = tpu.memref_slice %arg2[%mul3A_2] : memref<16384xi32, #tpu.memory_space<hbm>> -> memref<512xi32, #tpu.memory_space<hbm>>
      %dma_start3A_47 = tpu.memref_slice %arg2[%mul3A_2] : memref<16384xi32, #tpu.memory_space<hbm>> -> memref<512xi32, #tpu.memory_space<hbm>>
      tpu.enqueue_dma source(%dma_start3A_47 : memref<512xi32, #tpu.memory_space<hbm>>) target(%arg9 : memref<512xi32, #tpu.memory_space<vmem>>) target_semaphore(%run_scoped3A_45 : memref<!tpu.dma_semaphore, #tpu.memory_space<semaphore_mem>>)
      %dma_wait3A_48 = tpu.memref_slice %arg2[%mul3A_2] : memref<16384xi32, #tpu.memory_space<hbm>> -> memref<512xi32, #tpu.memory_space<hbm>>
      %dma_wait3A_49 = tpu.memref_slice %arg2[%mul3A_2] : memref<16384xi32, #tpu.memory_space<hbm>> -> memref<512xi32, #tpu.memory_space<hbm>>
      tpu.wait_dma2 semaphore(%run_scoped3A_45 : memref<!tpu.dma_semaphore, #tpu.memory_space<semaphore_mem>>) src(%dma_wait3A_49 : memref<512xi32, #tpu.memory_space<hbm>>) dst(%arg9 : memref<512xi32, #tpu.memory_space<vmem>>)
      tpu.yield
    }) : () -> ()
    %dma_start3A = arith.constant 0 : i32
    %dma_start3A_3 = tpu.memref_slice %arg10[%dma_start3A] : memref<2560xf32, #tpu.memory_space<vmem>> -> memref<512xf32, #tpu.memory_space<vmem>>
    %dma_start3A_4 = arith.constant 0 : i32
    %dma_start3A_5 = tpu.memref_slice %arg3[%dma_start3A_4] : memref<1000000xf32, #tpu.memory_space<hbm>> -> memref<1000000xf32, #tpu.memory_space<hbm>>
    tpu.enqueue_indirect_dma source(%dma_start3A_5 : memref<1000000xf32, #tpu.memory_space<hbm>>) target(%dma_start3A_3 : memref<512xf32, #tpu.memory_space<vmem>>) offsets(%arg9 : memref<512xi32, #tpu.memory_space<vmem>>) semaphore(%arg11 : memref<!tpu.dma_semaphore, #tpu.memory_space<semaphore_mem>>)
    %dma_start3A_6 = arith.constant 512 : i32
    %dma_start3A_7 = tpu.memref_slice %arg10[%dma_start3A_6] : memref<2560xf32, #tpu.memory_space<vmem>> -> memref<512xf32, #tpu.memory_space<vmem>>
    %dma_start3A_8 = arith.constant 0 : i32
    %dma_start3A_9 = tpu.memref_slice %arg4[%dma_start3A_8] : memref<1000000xf32, #tpu.memory_space<hbm>> -> memref<1000000xf32, #tpu.memory_space<hbm>>
    tpu.enqueue_indirect_dma source(%dma_start3A_9 : memref<1000000xf32, #tpu.memory_space<hbm>>) target(%dma_start3A_7 : memref<512xf32, #tpu.memory_space<vmem>>) offsets(%arg9 : memref<512xi32, #tpu.memory_space<vmem>>) semaphore(%arg11 : memref<!tpu.dma_semaphore, #tpu.memory_space<semaphore_mem>>)
    %dma_start3A_10 = arith.constant 1024 : i32
    %dma_start3A_11 = tpu.memref_slice %arg10[%dma_start3A_10] : memref<2560xf32, #tpu.memory_space<vmem>> -> memref<512xf32, #tpu.memory_space<vmem>>
    %dma_start3A_12 = arith.constant 0 : i32
    %dma_start3A_13 = tpu.memref_slice %arg5[%dma_start3A_12] : memref<1000000xf32, #tpu.memory_space<hbm>> -> memref<1000000xf32, #tpu.memory_space<hbm>>
    tpu.enqueue_indirect_dma source(%dma_start3A_13 : memref<1000000xf32, #tpu.memory_space<hbm>>) target(%dma_start3A_11 : memref<512xf32, #tpu.memory_space<vmem>>) offsets(%arg9 : memref<512xi32, #tpu.memory_space<vmem>>) semaphore(%arg11 : memref<!tpu.dma_semaphore, #tpu.memory_space<semaphore_mem>>)
    %dma_start3A_14 = arith.constant 1536 : i32
    %dma_start3A_15 = tpu.memref_slice %arg10[%dma_start3A_14] : memref<2560xf32, #tpu.memory_space<vmem>> -> memref<512xf32, #tpu.memory_space<vmem>>
    %dma_start3A_16 = arith.constant 0 : i32
    %dma_start3A_17 = tpu.memref_slice %arg6[%dma_start3A_16] : memref<1000000xf32, #tpu.memory_space<hbm>> -> memref<1000000xf32, #tpu.memory_space<hbm>>
    tpu.enqueue_indirect_dma source(%dma_start3A_17 : memref<1000000xf32, #tpu.memory_space<hbm>>) target(%dma_start3A_15 : memref<512xf32, #tpu.memory_space<vmem>>) offsets(%arg9 : memref<512xi32, #tpu.memory_space<vmem>>) semaphore(%arg11 : memref<!tpu.dma_semaphore, #tpu.memory_space<semaphore_mem>>)
    %dma_start3A_18 = arith.constant 2048 : i32
    %dma_start3A_19 = tpu.memref_slice %arg10[%dma_start3A_18] : memref<2560xf32, #tpu.memory_space<vmem>> -> memref<512xf32, #tpu.memory_space<vmem>>
    %dma_start3A_20 = arith.constant 0 : i32
    %dma_start3A_21 = tpu.memref_slice %arg7[%dma_start3A_20] : memref<1000000xf32, #tpu.memory_space<hbm>> -> memref<1000000xf32, #tpu.memory_space<hbm>>
    tpu.enqueue_indirect_dma source(%dma_start3A_21 : memref<1000000xf32, #tpu.memory_space<hbm>>) target(%dma_start3A_19 : memref<512xf32, #tpu.memory_space<vmem>>) offsets(%arg9 : memref<512xi32, #tpu.memory_space<vmem>>) semaphore(%arg11 : memref<!tpu.dma_semaphore, #tpu.memory_space<semaphore_mem>>)
    %dma_wait3A = arith.constant 0 : i32
    %dma_wait3A_22 = tpu.memref_slice %arg10[%dma_wait3A] : memref<2560xf32, #tpu.memory_space<vmem>> -> memref<512xf32, #tpu.memory_space<vmem>>
    %dma_wait3A_23 = arith.constant 0 : i32
    %dma_wait3A_24 = tpu.memref_slice %arg3[%dma_wait3A_23] : memref<1000000xf32, #tpu.memory_space<hbm>> -> memref<1000000xf32, #tpu.memory_space<hbm>>
    tpu.wait_indirect_dma semaphore(%arg11 : memref<!tpu.dma_semaphore, #tpu.memory_space<semaphore_mem>>) src(%dma_wait3A_24 : memref<1000000xf32, #tpu.memory_space<hbm>>) dst(%dma_wait3A_22 : memref<512xf32, #tpu.memory_space<vmem>>)
    %dma_wait3A_25 = arith.constant 512 : i32
    %dma_wait3A_26 = tpu.memref_slice %arg10[%dma_wait3A_25] : memref<2560xf32, #tpu.memory_space<vmem>> -> memref<512xf32, #tpu.memory_space<vmem>>
    %dma_wait3A_27 = arith.constant 0 : i32
    %dma_wait3A_28 = tpu.memref_slice %arg4[%dma_wait3A_27] : memref<1000000xf32, #tpu.memory_space<hbm>> -> memref<1000000xf32, #tpu.memory_space<hbm>>
    tpu.wait_indirect_dma semaphore(%arg11 : memref<!tpu.dma_semaphore, #tpu.memory_space<semaphore_mem>>) src(%dma_wait3A_28 : memref<1000000xf32, #tpu.memory_space<hbm>>) dst(%dma_wait3A_26 : memref<512xf32, #tpu.memory_space<vmem>>)
    %dma_wait3A_29 = arith.constant 1024 : i32
    %dma_wait3A_30 = tpu.memref_slice %arg10[%dma_wait3A_29] : memref<2560xf32, #tpu.memory_space<vmem>> -> memref<512xf32, #tpu.memory_space<vmem>>
    %dma_wait3A_31 = arith.constant 0 : i32
    %dma_wait3A_32 = tpu.memref_slice %arg5[%dma_wait3A_31] : memref<1000000xf32, #tpu.memory_space<hbm>> -> memref<1000000xf32, #tpu.memory_space<hbm>>
    tpu.wait_indirect_dma semaphore(%arg11 : memref<!tpu.dma_semaphore, #tpu.memory_space<semaphore_mem>>) src(%dma_wait3A_32 : memref<1000000xf32, #tpu.memory_space<hbm>>) dst(%dma_wait3A_30 : memref<512xf32, #tpu.memory_space<vmem>>)
    %dma_wait3A_33 = arith.constant 1536 : i32
    %dma_wait3A_34 = tpu.memref_slice %arg10[%dma_wait3A_33] : memref<2560xf32, #tpu.memory_space<vmem>> -> memref<512xf32, #tpu.memory_space<vmem>>
    %dma_wait3A_35 = arith.constant 0 : i32
    %dma_wait3A_36 = tpu.memref_slice %arg6[%dma_wait3A_35] : memref<1000000xf32, #tpu.memory_space<hbm>> -> memref<1000000xf32, #tpu.memory_space<hbm>>
    tpu.wait_indirect_dma semaphore(%arg11 : memref<!tpu.dma_semaphore, #tpu.memory_space<semaphore_mem>>) src(%dma_wait3A_36 : memref<1000000xf32, #tpu.memory_space<hbm>>) dst(%dma_wait3A_34 : memref<512xf32, #tpu.memory_space<vmem>>)
    %dma_wait3A_37 = arith.constant 2048 : i32
    %dma_wait3A_38 = tpu.memref_slice %arg10[%dma_wait3A_37] : memref<2560xf32, #tpu.memory_space<vmem>> -> memref<512xf32, #tpu.memory_space<vmem>>
    %dma_wait3A_39 = arith.constant 0 : i32
    %dma_wait3A_40 = tpu.memref_slice %arg7[%dma_wait3A_39] : memref<1000000xf32, #tpu.memory_space<hbm>> -> memref<1000000xf32, #tpu.memory_space<hbm>>
    tpu.wait_indirect_dma semaphore(%arg11 : memref<!tpu.dma_semaphore, #tpu.memory_space<semaphore_mem>>) src(%dma_wait3A_40 : memref<1000000xf32, #tpu.memory_space<hbm>>) dst(%dma_wait3A_38 : memref<512xf32, #tpu.memory_space<vmem>>)
    %run_scoped3A = arith.constant 0 : i32
    "tpu.region"() ({
      %run_scoped3A_45 = tpu.sem_alloc : memref<!tpu.dma_semaphore, #tpu.memory_space<semaphore_mem>>
      %dma_start3A_46 = arith.constant 0 : i32
      %dma_start3A_47 = tpu.memref_slice %arg10[%dma_start3A_46] : memref<2560xf32, #tpu.memory_space<vmem>> -> memref<512xf32, #tpu.memory_space<vmem>>
      %dma_start3A_48 = tpu.memref_slice %arg8[%run_scoped3A, %mul3A_2] : memref<5x16384xf32, #tpu.memory_space<hbm>> -> memref<1x512xf32, #tpu.memory_space<hbm>>
      %dma_start3A_49 = tpu.memref_squeeze %dma_start3A_48 : memref<1x512xf32, #tpu.memory_space<hbm>> -> memref<512xf32, #tpu.memory_space<hbm>>
      %dma_start3A_50 = tpu.memref_slice %arg8[%run_scoped3A, %mul3A_2] : memref<5x16384xf32, #tpu.memory_space<hbm>> -> memref<1x512xf32, #tpu.memory_space<hbm>>
      %dma_start3A_51 = tpu.memref_squeeze %dma_start3A_50 : memref<1x512xf32, #tpu.memory_space<hbm>> -> memref<512xf32, #tpu.memory_space<hbm>>
      %dma_start3A_52 = arith.constant 0 : i32
      %dma_start3A_53 = tpu.memref_slice %arg10[%dma_start3A_52] : memref<2560xf32, #tpu.memory_space<vmem>> -> memref<512xf32, #tpu.memory_space<vmem>>
      tpu.enqueue_dma source(%dma_start3A_53 : memref<512xf32, #tpu.memory_space<vmem>>) target(%dma_start3A_51 : memref<512xf32, #tpu.memory_space<hbm>>) target_semaphore(%run_scoped3A_45 : memref<!tpu.dma_semaphore, #tpu.memory_space<semaphore_mem>>)
      %dma_wait3A_54 = arith.constant 0 : i32
      %dma_wait3A_55 = tpu.memref_slice %arg10[%dma_wait3A_54] : memref<2560xf32, #tpu.memory_space<vmem>> -> memref<512xf32, #tpu.memory_space<vmem>>
      %dma_wait3A_56 = tpu.memref_slice %arg8[%run_scoped3A, %mul3A_2] : memref<5x16384xf32, #tpu.memory_space<hbm>> -> memref<1x512xf32, #tpu.memory_space<hbm>>
      %dma_wait3A_57 = tpu.memref_squeeze %dma_wait3A_56 : memref<1x512xf32, #tpu.memory_space<hbm>> -> memref<512xf32, #tpu.memory_space<hbm>>
      %dma_wait3A_58 = tpu.memref_slice %arg8[%run_scoped3A, %mul3A_2] : memref<5x16384xf32, #tpu.memory_space<hbm>> -> memref<1x512xf32, #tpu.memory_space<hbm>>
      %dma_wait3A_59 = tpu.memref_squeeze %dma_wait3A_58 : memref<1x512xf32, #tpu.memory_space<hbm>> -> memref<512xf32, #tpu.memory_space<hbm>>
      %dma_wait3A_60 = arith.constant 0 : i32
      %dma_wait3A_61 = tpu.memref_slice %arg10[%dma_wait3A_60] : memref<2560xf32, #tpu.memory_space<vmem>> -> memref<512xf32, #tpu.memory_space<vmem>>
      tpu.wait_dma2 semaphore(%run_scoped3A_45 : memref<!tpu.dma_semaphore, #tpu.memory_space<semaphore_mem>>) src(%dma_wait3A_61 : memref<512xf32, #tpu.memory_space<vmem>>) dst(%dma_wait3A_59 : memref<512xf32, #tpu.memory_space<hbm>>)
      tpu.yield
    }) : () -> ()
    %run_scoped3A_41 = arith.constant 1 : i32
    "tpu.region"() ({
      %run_scoped3A_45 = tpu.sem_alloc : memref<!tpu.dma_semaphore, #tpu.memory_space<semaphore_mem>>
      %dma_start3A_46 = arith.constant 512 : i32
      %dma_start3A_47 = tpu.memref_slice %arg10[%dma_start3A_46] : memref<2560xf32, #tpu.memory_space<vmem>> -> memref<512xf32, #tpu.memory_space<vmem>>
      %dma_start3A_48 = tpu.memref_slice %arg8[%run_scoped3A_41, %mul3A_2] : memref<5x16384xf32, #tpu.memory_space<hbm>> -> memref<1x512xf32, #tpu.memory_space<hbm>>
      %dma_start3A_49 = tpu.memref_squeeze %dma_start3A_48 : memref<1x512xf32, #tpu.memory_space<hbm>> -> memref<512xf32, #tpu.memory_space<hbm>>
      %dma_start3A_50 = tpu.memref_slice %arg8[%run_scoped3A_41, %mul3A_2] : memref<5x16384xf32, #tpu.memory_space<hbm>> -> memref<1x512xf32, #tpu.memory_space<hbm>>
      %dma_start3A_51 = tpu.memref_squeeze %dma_start3A_50 : memref<1x512xf32, #tpu.memory_space<hbm>> -> memref<512xf32, #tpu.memory_space<hbm>>
      %dma_start3A_52 = arith.constant 512 : i32
      %dma_start3A_53 = tpu.memref_slice %arg10[%dma_start3A_52] : memref<2560xf32, #tpu.memory_space<vmem>> -> memref<512xf32, #tpu.memory_space<vmem>>
      tpu.enqueue_dma source(%dma_start3A_53 : memref<512xf32, #tpu.memory_space<vmem>>) target(%dma_start3A_51 : memref<512xf32, #tpu.memory_space<hbm>>) target_semaphore(%run_scoped3A_45 : memref<!tpu.dma_semaphore, #tpu.memory_space<semaphore_mem>>)
      %dma_wait3A_54 = arith.constant 512 : i32
      %dma_wait3A_55 = tpu.memref_slice %arg10[%dma_wait3A_54] : memref<2560xf32, #tpu.memory_space<vmem>> -> memref<512xf32, #tpu.memory_space<vmem>>
      %dma_wait3A_56 = tpu.memref_slice %arg8[%run_scoped3A_41, %mul3A_2] : memref<5x16384xf32, #tpu.memory_space<hbm>> -> memref<1x512xf32, #tpu.memory_space<hbm>>
      %dma_wait3A_57 = tpu.memref_squeeze %dma_wait3A_56 : memref<1x512xf32, #tpu.memory_space<hbm>> -> memref<512xf32, #tpu.memory_space<hbm>>
      %dma_wait3A_58 = tpu.memref_slice %arg8[%run_scoped3A_41, %mul3A_2] : memref<5x16384xf32, #tpu.memory_space<hbm>> -> memref<1x512xf32, #tpu.memory_space<hbm>>
      %dma_wait3A_59 = tpu.memref_squeeze %dma_wait3A_58 : memref<1x512xf32, #tpu.memory_space<hbm>> -> memref<512xf32, #tpu.memory_space<hbm>>
      %dma_wait3A_60 = arith.constant 512 : i32
      %dma_wait3A_61 = tpu.memref_slice %arg10[%dma_wait3A_60] : memref<2560xf32, #tpu.memory_space<vmem>> -> memref<512xf32, #tpu.memory_space<vmem>>
      tpu.wait_dma2 semaphore(%run_scoped3A_45 : memref<!tpu.dma_semaphore, #tpu.memory_space<semaphore_mem>>) src(%dma_wait3A_61 : memref<512xf32, #tpu.memory_space<vmem>>) dst(%dma_wait3A_59 : memref<512xf32, #tpu.memory_space<hbm>>)
      tpu.yield
    }) : () -> ()
    %run_scoped3A_42 = arith.constant 2 : i32
    "tpu.region"() ({
      %run_scoped3A_45 = tpu.sem_alloc : memref<!tpu.dma_semaphore, #tpu.memory_space<semaphore_mem>>
      %dma_start3A_46 = arith.constant 1024 : i32
      %dma_start3A_47 = tpu.memref_slice %arg10[%dma_start3A_46] : memref<2560xf32, #tpu.memory_space<vmem>> -> memref<512xf32, #tpu.memory_space<vmem>>
      %dma_start3A_48 = tpu.memref_slice %arg8[%run_scoped3A_42, %mul3A_2] : memref<5x16384xf32, #tpu.memory_space<hbm>> -> memref<1x512xf32, #tpu.memory_space<hbm>>
      %dma_start3A_49 = tpu.memref_squeeze %dma_start3A_48 : memref<1x512xf32, #tpu.memory_space<hbm>> -> memref<512xf32, #tpu.memory_space<hbm>>
      %dma_start3A_50 = tpu.memref_slice %arg8[%run_scoped3A_42, %mul3A_2] : memref<5x16384xf32, #tpu.memory_space<hbm>> -> memref<1x512xf32, #tpu.memory_space<hbm>>
      %dma_start3A_51 = tpu.memref_squeeze %dma_start3A_50 : memref<1x512xf32, #tpu.memory_space<hbm>> -> memref<512xf32, #tpu.memory_space<hbm>>
      %dma_start3A_52 = arith.constant 1024 : i32
      %dma_start3A_53 = tpu.memref_slice %arg10[%dma_start3A_52] : memref<2560xf32, #tpu.memory_space<vmem>> -> memref<512xf32, #tpu.memory_space<vmem>>
      tpu.enqueue_dma source(%dma_start3A_53 : memref<512xf32, #tpu.memory_space<vmem>>) target(%dma_start3A_51 : memref<512xf32, #tpu.memory_space<hbm>>) target_semaphore(%run_scoped3A_45 : memref<!tpu.dma_semaphore, #tpu.memory_space<semaphore_mem>>)
      %dma_wait3A_54 = arith.constant 1024 : i32
      %dma_wait3A_55 = tpu.memref_slice %arg10[%dma_wait3A_54] : memref<2560xf32, #tpu.memory_space<vmem>> -> memref<512xf32, #tpu.memory_space<vmem>>
      %dma_wait3A_56 = tpu.memref_slice %arg8[%run_scoped3A_42, %mul3A_2] : memref<5x16384xf32, #tpu.memory_space<hbm>> -> memref<1x512xf32, #tpu.memory_space<hbm>>
      %dma_wait3A_57 = tpu.memref_squeeze %dma_wait3A_56 : memref<1x512xf32, #tpu.memory_space<hbm>> -> memref<512xf32, #tpu.memory_space<hbm>>
      %dma_wait3A_58 = tpu.memref_slice %arg8[%run_scoped3A_42, %mul3A_2] : memref<5x16384xf32, #tpu.memory_space<hbm>> -> memref<1x512xf32, #tpu.memory_space<hbm>>
      %dma_wait3A_59 = tpu.memref_squeeze %dma_wait3A_58 : memref<1x512xf32, #tpu.memory_space<hbm>> -> memref<512xf32, #tpu.memory_space<hbm>>
      %dma_wait3A_60 = arith.constant 1024 : i32
      %dma_wait3A_61 = tpu.memref_slice %arg10[%dma_wait3A_60] : memref<2560xf32, #tpu.memory_space<vmem>> -> memref<512xf32, #tpu.memory_space<vmem>>
      tpu.wait_dma2 semaphore(%run_scoped3A_45 : memref<!tpu.dma_semaphore, #tpu.memory_space<semaphore_mem>>) src(%dma_wait3A_61 : memref<512xf32, #tpu.memory_space<vmem>>) dst(%dma_wait3A_59 : memref<512xf32, #tpu.memory_space<hbm>>)
      tpu.yield
    }) : () -> ()
    %run_scoped3A_43 = arith.constant 3 : i32
    "tpu.region"() ({
      %run_scoped3A_45 = tpu.sem_alloc : memref<!tpu.dma_semaphore, #tpu.memory_space<semaphore_mem>>
      %dma_start3A_46 = arith.constant 1536 : i32
      %dma_start3A_47 = tpu.memref_slice %arg10[%dma_start3A_46] : memref<2560xf32, #tpu.memory_space<vmem>> -> memref<512xf32, #tpu.memory_space<vmem>>
      %dma_start3A_48 = tpu.memref_slice %arg8[%run_scoped3A_43, %mul3A_2] : memref<5x16384xf32, #tpu.memory_space<hbm>> -> memref<1x512xf32, #tpu.memory_space<hbm>>
      %dma_start3A_49 = tpu.memref_squeeze %dma_start3A_48 : memref<1x512xf32, #tpu.memory_space<hbm>> -> memref<512xf32, #tpu.memory_space<hbm>>
      %dma_start3A_50 = tpu.memref_slice %arg8[%run_scoped3A_43, %mul3A_2] : memref<5x16384xf32, #tpu.memory_space<hbm>> -> memref<1x512xf32, #tpu.memory_space<hbm>>
      %dma_start3A_51 = tpu.memref_squeeze %dma_start3A_50 : memref<1x512xf32, #tpu.memory_space<hbm>> -> memref<512xf32, #tpu.memory_space<hbm>>
      %dma_start3A_52 = arith.constant 1536 : i32
      %dma_start3A_53 = tpu.memref_slice %arg10[%dma_start3A_52] : memref<2560xf32, #tpu.memory_space<vmem>> -> memref<512xf32, #tpu.memory_space<vmem>>
      tpu.enqueue_dma source(%dma_start3A_53 : memref<512xf32, #tpu.memory_space<vmem>>) target(%dma_start3A_51 : memref<512xf32, #tpu.memory_space<hbm>>) target_semaphore(%run_scoped3A_45 : memref<!tpu.dma_semaphore, #tpu.memory_space<semaphore_mem>>)
      %dma_wait3A_54 = arith.constant 1536 : i32
      %dma_wait3A_55 = tpu.memref_slice %arg10[%dma_wait3A_54] : memref<2560xf32, #tpu.memory_space<vmem>> -> memref<512xf32, #tpu.memory_space<vmem>>
      %dma_wait3A_56 = tpu.memref_slice %arg8[%run_scoped3A_43, %mul3A_2] : memref<5x16384xf32, #tpu.memory_space<hbm>> -> memref<1x512xf32, #tpu.memory_space<hbm>>
      %dma_wait3A_57 = tpu.memref_squeeze %dma_wait3A_56 : memref<1x512xf32, #tpu.memory_space<hbm>> -> memref<512xf32, #tpu.memory_space<hbm>>
      %dma_wait3A_58 = tpu.memref_slice %arg8[%run_scoped3A_43, %mul3A_2] : memref<5x16384xf32, #tpu.memory_space<hbm>> -> memref<1x512xf32, #tpu.memory_space<hbm>>
      %dma_wait3A_59 = tpu.memref_squeeze %dma_wait3A_58 : memref<1x512xf32, #tpu.memory_space<hbm>> -> memref<512xf32, #tpu.memory_space<hbm>>
      %dma_wait3A_60 = arith.constant 1536 : i32
      %dma_wait3A_61 = tpu.memref_slice %arg10[%dma_wait3A_60] : memref<2560xf32, #tpu.memory_space<vmem>> -> memref<512xf32, #tpu.memory_space<vmem>>
      tpu.wait_dma2 semaphore(%run_scoped3A_45 : memref<!tpu.dma_semaphore, #tpu.memory_space<semaphore_mem>>) src(%dma_wait3A_61 : memref<512xf32, #tpu.memory_space<vmem>>) dst(%dma_wait3A_59 : memref<512xf32, #tpu.memory_space<hbm>>)
      tpu.yield
    }) : () -> ()
    %run_scoped3A_44 = arith.constant 4 : i32
    "tpu.region"() ({
      %run_scoped3A_45 = tpu.sem_alloc : memref<!tpu.dma_semaphore, #tpu.memory_space<semaphore_mem>>
      %dma_start3A_46 = arith.constant 2048 : i32
      %dma_start3A_47 = tpu.memref_slice %arg10[%dma_start3A_46] : memref<2560xf32, #tpu.memory_space<vmem>> -> memref<512xf32, #tpu.memory_space<vmem>>
      %dma_start3A_48 = tpu.memref_slice %arg8[%run_scoped3A_44, %mul3A_2] : memref<5x16384xf32, #tpu.memory_space<hbm>> -> memref<1x512xf32, #tpu.memory_space<hbm>>
      %dma_start3A_49 = tpu.memref_squeeze %dma_start3A_48 : memref<1x512xf32, #tpu.memory_space<hbm>> -> memref<512xf32, #tpu.memory_space<hbm>>
      %dma_start3A_50 = tpu.memref_slice %arg8[%run_scoped3A_44, %mul3A_2] : memref<5x16384xf32, #tpu.memory_space<hbm>> -> memref<1x512xf32, #tpu.memory_space<hbm>>
      %dma_start3A_51 = tpu.memref_squeeze %dma_start3A_50 : memref<1x512xf32, #tpu.memory_space<hbm>> -> memref<512xf32, #tpu.memory_space<hbm>>
      %dma_start3A_52 = arith.constant 2048 : i32
      %dma_start3A_53 = tpu.memref_slice %arg10[%dma_start3A_52] : memref<2560xf32, #tpu.memory_space<vmem>> -> memref<512xf32, #tpu.memory_space<vmem>>
      tpu.enqueue_dma source(%dma_start3A_53 : memref<512xf32, #tpu.memory_space<vmem>>) target(%dma_start3A_51 : memref<512xf32, #tpu.memory_space<hbm>>) target_semaphore(%run_scoped3A_45 : memref<!tpu.dma_semaphore, #tpu.memory_space<semaphore_mem>>)
      %dma_wait3A_54 = arith.constant 2048 : i32
      %dma_wait3A_55 = tpu.memref_slice %arg10[%dma_wait3A_54] : memref<2560xf32, #tpu.memory_space<vmem>> -> memref<512xf32, #tpu.memory_space<vmem>>
      %dma_wait3A_56 = tpu.memref_slice %arg8[%run_scoped3A_44, %mul3A_2] : memref<5x16384xf32, #tpu.memory_space<hbm>> -> memref<1x512xf32, #tpu.memory_space<hbm>>
      %dma_wait3A_57 = tpu.memref_squeeze %dma_wait3A_56 : memref<1x512xf32, #tpu.memory_space<hbm>> -> memref<512xf32, #tpu.memory_space<hbm>>
      %dma_wait3A_58 = tpu.memref_slice %arg8[%run_scoped3A_44, %mul3A_2] : memref<5x16384xf32, #tpu.memory_space<hbm>> -> memref<1x512xf32, #tpu.memory_space<hbm>>
      %dma_wait3A_59 = tpu.memref_squeeze %dma_wait3A_58 : memref<1x512xf32, #tpu.memory_space<hbm>> -> memref<512xf32, #tpu.memory_space<hbm>>
      %dma_wait3A_60 = arith.constant 2048 : i32
      %dma_wait3A_61 = tpu.memref_slice %arg10[%dma_wait3A_60] : memref<2560xf32, #tpu.memory_space<vmem>> -> memref<512xf32, #tpu.memory_space<vmem>>
      tpu.wait_dma2 semaphore(%run_scoped3A_45 : memref<!tpu.dma_semaphore, #tpu.memory_space<semaphore_mem>>) src(%dma_wait3A_61 : memref<512xf32, #tpu.memory_space<vmem>>) dst(%dma_wait3A_59 : memref<512xf32, #tpu.memory_space<hbm>>)
      tpu.yield
    }) : () -> ()
    return
  }
}

#map = affine_map<(d0, d1) -> (0)>
#map1 = affine_map<(d0, d1) -> (0, 0)>
module attributes {stable_mosaic.version = 14 : i64} {
  func.func @_sc_gather_body(%arg0: i32, %arg1: i32, %arg2: memref<16384xi32, #tpu.memory_space<hbm>>, %arg3: memref<1000000xf32, #tpu.memory_space<hbm>>, %arg4: memref<1000000xf32, #tpu.memory_space<hbm>>, %arg5: memref<1000000xf32, #tpu.memory_space<hbm>>, %arg6: memref<1000000xf32, #tpu.memory_space<hbm>>, %arg7: memref<1000000xf32, #tpu.memory_space<hbm>>, %arg8: memref<5x16384xf32, #tpu.memory_space<hbm>>, %arg9: memref<512xi32, #tpu.memory_space<vmem>>, %arg10: memref<2560xf32, #tpu.memory_space<vmem>>, %arg11: memref<!tpu.dma_semaphore, #tpu.memory_space<semaphore_mem>>) attributes {dimension_semantics = [#tpu.dimension_semantics<core_parallel>, #tpu.dimension_semantics<subcore_parallel>], iteration_bounds = array<i64: 2, 16>, scalar_prefetch = 0 : i64, scratch_operands = 3 : i64, tpu.core_type = #tpu.core_type<sc_vector_subcore>, window_params = [{transform_indices = #map}, {transform_indices = #map}, {transform_indices = #map}, {transform_indices = #map}, {transform_indices = #map}, {transform_indices = #map}, {transform_indices = #map1}]} {
    %mul3A = arith.constant 2 : i32
    %mul3A_0 = arith.muli %arg1, %mul3A : i32
    %add3A = arith.addi %mul3A_0, %arg0 : i32
    %mul3A_1 = arith.constant 512 : i32
    %mul3A_2 = arith.muli %add3A, %mul3A_1 : i32
    "tpu.region"() ({
      %run_scoped3A_45 = tpu.sem_alloc : memref<!tpu.dma_semaphore, #tpu.memory_space<semaphore_mem>>
      %dma_start3A_46 = tpu.memref_slice %arg2[%mul3A_2] : memref<16384xi32, #tpu.memory_space<hbm>> -> memref<512xi32, #tpu.memory_space<hbm>>
      %dma_start3A_47 = tpu.memref_slice %arg2[%mul3A_2] : memref<16384xi32, #tpu.memory_space<hbm>> -> memref<512xi32, #tpu.memory_space<hbm>>
      tpu.enqueue_dma source(%dma_start3A_47 : memref<512xi32, #tpu.memory_space<hbm>>) target(%arg9 : memref<512xi32, #tpu.memory_space<vmem>>) target_semaphore(%run_scoped3A_45 : memref<!tpu.dma_semaphore, #tpu.memory_space<semaphore_mem>>)
      %dma_wait3A_48 = tpu.memref_slice %arg2[%mul3A_2] : memref<16384xi32, #tpu.memory_space<hbm>> -> memref<512xi32, #tpu.memory_space<hbm>>
      %dma_wait3A_49 = tpu.memref_slice %arg2[%mul3A_2] : memref<16384xi32, #tpu.memory_space<hbm>> -> memref<512xi32, #tpu.memory_space<hbm>>
      tpu.wait_dma2 semaphore(%run_scoped3A_45 : memref<!tpu.dma_semaphore, #tpu.memory_space<semaphore_mem>>) src(%dma_wait3A_49 : memref<512xi32, #tpu.memory_space<hbm>>) dst(%arg9 : memref<512xi32, #tpu.memory_space<vmem>>)
      tpu.yield
    }) : () -> ()
    %dma_start3A = arith.constant 0 : i32
    %dma_start3A_3 = tpu.memref_slice %arg10[%dma_start3A] : memref<2560xf32, #tpu.memory_space<vmem>> -> memref<512xf32, #tpu.memory_space<vmem>>
    %dma_start3A_4 = arith.constant 0 : i32
    %dma_start3A_5 = tpu.memref_slice %arg3[%dma_start3A_4] : memref<1000000xf32, #tpu.memory_space<hbm>> -> memref<1000000xf32, #tpu.memory_space<hbm>>
    tpu.enqueue_indirect_dma source(%dma_start3A_5 : memref<1000000xf32, #tpu.memory_space<hbm>>) target(%dma_start3A_3 : memref<512xf32, #tpu.memory_space<vmem>>) offsets(%arg9 : memref<512xi32, #tpu.memory_space<vmem>>) semaphore(%arg11 : memref<!tpu.dma_semaphore, #tpu.memory_space<semaphore_mem>>)
    %dma_start3A_6 = arith.constant 512 : i32
    %dma_start3A_7 = tpu.memref_slice %arg10[%dma_start3A_6] : memref<2560xf32, #tpu.memory_space<vmem>> -> memref<512xf32, #tpu.memory_space<vmem>>
    %dma_start3A_8 = arith.constant 0 : i32
    %dma_start3A_9 = tpu.memref_slice %arg4[%dma_start3A_8] : memref<1000000xf32, #tpu.memory_space<hbm>> -> memref<1000000xf32, #tpu.memory_space<hbm>>
    tpu.enqueue_indirect_dma source(%dma_start3A_9 : memref<1000000xf32, #tpu.memory_space<hbm>>) target(%dma_start3A_7 : memref<512xf32, #tpu.memory_space<vmem>>) offsets(%arg9 : memref<512xi32, #tpu.memory_space<vmem>>) semaphore(%arg11 : memref<!tpu.dma_semaphore, #tpu.memory_space<semaphore_mem>>)
    %dma_start3A_10 = arith.constant 1024 : i32
    %dma_start3A_11 = tpu.memref_slice %arg10[%dma_start3A_10] : memref<2560xf32, #tpu.memory_space<vmem>> -> memref<512xf32, #tpu.memory_space<vmem>>
    %dma_start3A_12 = arith.constant 0 : i32
    %dma_start3A_13 = tpu.memref_slice %arg5[%dma_start3A_12] : memref<1000000xf32, #tpu.memory_space<hbm>> -> memref<1000000xf32, #tpu.memory_space<hbm>>
    tpu.enqueue_indirect_dma source(%dma_start3A_13 : memref<1000000xf32, #tpu.memory_space<hbm>>) target(%dma_start3A_11 : memref<512xf32, #tpu.memory_space<vmem>>) offsets(%arg9 : memref<512xi32, #tpu.memory_space<vmem>>) semaphore(%arg11 : memref<!tpu.dma_semaphore, #tpu.memory_space<semaphore_mem>>)
    %dma_start3A_14 = arith.constant 1536 : i32
    %dma_start3A_15 = tpu.memref_slice %arg10[%dma_start3A_14] : memref<2560xf32, #tpu.memory_space<vmem>> -> memref<512xf32, #tpu.memory_space<vmem>>
    %dma_start3A_16 = arith.constant 0 : i32
    %dma_start3A_17 = tpu.memref_slice %arg6[%dma_start3A_16] : memref<1000000xf32, #tpu.memory_space<hbm>> -> memref<1000000xf32, #tpu.memory_space<hbm>>
    tpu.enqueue_indirect_dma source(%dma_start3A_17 : memref<1000000xf32, #tpu.memory_space<hbm>>) target(%dma_start3A_15 : memref<512xf32, #tpu.memory_space<vmem>>) offsets(%arg9 : memref<512xi32, #tpu.memory_space<vmem>>) semaphore(%arg11 : memref<!tpu.dma_semaphore, #tpu.memory_space<semaphore_mem>>)
    %dma_start3A_18 = arith.constant 2048 : i32
    %dma_start3A_19 = tpu.memref_slice %arg10[%dma_start3A_18] : memref<2560xf32, #tpu.memory_space<vmem>> -> memref<512xf32, #tpu.memory_space<vmem>>
    %dma_start3A_20 = arith.constant 0 : i32
    %dma_start3A_21 = tpu.memref_slice %arg7[%dma_start3A_20] : memref<1000000xf32, #tpu.memory_space<hbm>> -> memref<1000000xf32, #tpu.memory_space<hbm>>
    tpu.enqueue_indirect_dma source(%dma_start3A_21 : memref<1000000xf32, #tpu.memory_space<hbm>>) target(%dma_start3A_19 : memref<512xf32, #tpu.memory_space<vmem>>) offsets(%arg9 : memref<512xi32, #tpu.memory_space<vmem>>) semaphore(%arg11 : memref<!tpu.dma_semaphore, #tpu.memory_space<semaphore_mem>>)
    %dma_wait3A = arith.constant 0 : i32
    %dma_wait3A_22 = tpu.memref_slice %arg10[%dma_wait3A] : memref<2560xf32, #tpu.memory_space<vmem>> -> memref<512xf32, #tpu.memory_space<vmem>>
    %dma_wait3A_23 = arith.constant 0 : i32
    %dma_wait3A_24 = tpu.memref_slice %arg3[%dma_wait3A_23] : memref<1000000xf32, #tpu.memory_space<hbm>> -> memref<1000000xf32, #tpu.memory_space<hbm>>
    tpu.wait_indirect_dma semaphore(%arg11 : memref<!tpu.dma_semaphore, #tpu.memory_space<semaphore_mem>>) src(%dma_wait3A_24 : memref<1000000xf32, #tpu.memory_space<hbm>>) dst(%dma_wait3A_22 : memref<512xf32, #tpu.memory_space<vmem>>)
    %dma_wait3A_25 = arith.constant 512 : i32
    %dma_wait3A_26 = tpu.memref_slice %arg10[%dma_wait3A_25] : memref<2560xf32, #tpu.memory_space<vmem>> -> memref<512xf32, #tpu.memory_space<vmem>>
    %dma_wait3A_27 = arith.constant 0 : i32
    %dma_wait3A_28 = tpu.memref_slice %arg4[%dma_wait3A_27] : memref<1000000xf32, #tpu.memory_space<hbm>> -> memref<1000000xf32, #tpu.memory_space<hbm>>
    tpu.wait_indirect_dma semaphore(%arg11 : memref<!tpu.dma_semaphore, #tpu.memory_space<semaphore_mem>>) src(%dma_wait3A_28 : memref<1000000xf32, #tpu.memory_space<hbm>>) dst(%dma_wait3A_26 : memref<512xf32, #tpu.memory_space<vmem>>)
    %dma_wait3A_29 = arith.constant 1024 : i32
    %dma_wait3A_30 = tpu.memref_slice %arg10[%dma_wait3A_29] : memref<2560xf32, #tpu.memory_space<vmem>> -> memref<512xf32, #tpu.memory_space<vmem>>
    %dma_wait3A_31 = arith.constant 0 : i32
    %dma_wait3A_32 = tpu.memref_slice %arg5[%dma_wait3A_31] : memref<1000000xf32, #tpu.memory_space<hbm>> -> memref<1000000xf32, #tpu.memory_space<hbm>>
    tpu.wait_indirect_dma semaphore(%arg11 : memref<!tpu.dma_semaphore, #tpu.memory_space<semaphore_mem>>) src(%dma_wait3A_32 : memref<1000000xf32, #tpu.memory_space<hbm>>) dst(%dma_wait3A_30 : memref<512xf32, #tpu.memory_space<vmem>>)
    %dma_wait3A_33 = arith.constant 1536 : i32
    %dma_wait3A_34 = tpu.memref_slice %arg10[%dma_wait3A_33] : memref<2560xf32, #tpu.memory_space<vmem>> -> memref<512xf32, #tpu.memory_space<vmem>>
    %dma_wait3A_35 = arith.constant 0 : i32
    %dma_wait3A_36 = tpu.memref_slice %arg6[%dma_wait3A_35] : memref<1000000xf32, #tpu.memory_space<hbm>> -> memref<1000000xf32, #tpu.memory_space<hbm>>
    tpu.wait_indirect_dma semaphore(%arg11 : memref<!tpu.dma_semaphore, #tpu.memory_space<semaphore_mem>>) src(%dma_wait3A_36 : memref<1000000xf32, #tpu.memory_space<hbm>>) dst(%dma_wait3A_34 : memref<512xf32, #tpu.memory_space<vmem>>)
    %dma_wait3A_37 = arith.constant 2048 : i32
    %dma_wait3A_38 = tpu.memref_slice %arg10[%dma_wait3A_37] : memref<2560xf32, #tpu.memory_space<vmem>> -> memref<512xf32, #tpu.memory_space<vmem>>
    %dma_wait3A_39 = arith.constant 0 : i32
    %dma_wait3A_40 = tpu.memref_slice %arg7[%dma_wait3A_39] : memref<1000000xf32, #tpu.memory_space<hbm>> -> memref<1000000xf32, #tpu.memory_space<hbm>>
    tpu.wait_indirect_dma semaphore(%arg11 : memref<!tpu.dma_semaphore, #tpu.memory_space<semaphore_mem>>) src(%dma_wait3A_40 : memref<1000000xf32, #tpu.memory_space<hbm>>) dst(%dma_wait3A_38 : memref<512xf32, #tpu.memory_space<vmem>>)
    %run_scoped3A = arith.constant 0 : i32
    "tpu.region"() ({
      %run_scoped3A_45 = tpu.sem_alloc : memref<!tpu.dma_semaphore, #tpu.memory_space<semaphore_mem>>
      %dma_start3A_46 = arith.constant 0 : i32
      %dma_start3A_47 = tpu.memref_slice %arg10[%dma_start3A_46] : memref<2560xf32, #tpu.memory_space<vmem>> -> memref<512xf32, #tpu.memory_space<vmem>>
      %dma_start3A_48 = tpu.memref_slice %arg8[%run_scoped3A, %mul3A_2] : memref<5x16384xf32, #tpu.memory_space<hbm>> -> memref<1x512xf32, #tpu.memory_space<hbm>>
      %dma_start3A_49 = tpu.memref_squeeze %dma_start3A_48 : memref<1x512xf32, #tpu.memory_space<hbm>> -> memref<512xf32, #tpu.memory_space<hbm>>
      %dma_start3A_50 = tpu.memref_slice %arg8[%run_scoped3A, %mul3A_2] : memref<5x16384xf32, #tpu.memory_space<hbm>> -> memref<1x512xf32, #tpu.memory_space<hbm>>
      %dma_start3A_51 = tpu.memref_squeeze %dma_start3A_50 : memref<1x512xf32, #tpu.memory_space<hbm>> -> memref<512xf32, #tpu.memory_space<hbm>>
      %dma_start3A_52 = arith.constant 0 : i32
      %dma_start3A_53 = tpu.memref_slice %arg10[%dma_start3A_52] : memref<2560xf32, #tpu.memory_space<vmem>> -> memref<512xf32, #tpu.memory_space<vmem>>
      tpu.enqueue_dma source(%dma_start3A_53 : memref<512xf32, #tpu.memory_space<vmem>>) target(%dma_start3A_51 : memref<512xf32, #tpu.memory_space<hbm>>) target_semaphore(%run_scoped3A_45 : memref<!tpu.dma_semaphore, #tpu.memory_space<semaphore_mem>>)
      %dma_wait3A_54 = arith.constant 0 : i32
      %dma_wait3A_55 = tpu.memref_slice %arg10[%dma_wait3A_54] : memref<2560xf32, #tpu.memory_space<vmem>> -> memref<512xf32, #tpu.memory_space<vmem>>
      %dma_wait3A_56 = tpu.memref_slice %arg8[%run_scoped3A, %mul3A_2] : memref<5x16384xf32, #tpu.memory_space<hbm>> -> memref<1x512xf32, #tpu.memory_space<hbm>>
      %dma_wait3A_57 = tpu.memref_squeeze %dma_wait3A_56 : memref<1x512xf32, #tpu.memory_space<hbm>> -> memref<512xf32, #tpu.memory_space<hbm>>
      %dma_wait3A_58 = tpu.memref_slice %arg8[%run_scoped3A, %mul3A_2] : memref<5x16384xf32, #tpu.memory_space<hbm>> -> memref<1x512xf32, #tpu.memory_space<hbm>>
      %dma_wait3A_59 = tpu.memref_squeeze %dma_wait3A_58 : memref<1x512xf32, #tpu.memory_space<hbm>> -> memref<512xf32, #tpu.memory_space<hbm>>
      %dma_wait3A_60 = arith.constant 0 : i32
      %dma_wait3A_61 = tpu.memref_slice %arg10[%dma_wait3A_60] : memref<2560xf32, #tpu.memory_space<vmem>> -> memref<512xf32, #tpu.memory_space<vmem>>
      tpu.wait_dma2 semaphore(%run_scoped3A_45 : memref<!tpu.dma_semaphore, #tpu.memory_space<semaphore_mem>>) src(%dma_wait3A_61 : memref<512xf32, #tpu.memory_space<vmem>>) dst(%dma_wait3A_59 : memref<512xf32, #tpu.memory_space<hbm>>)
      tpu.yield
    }) : () -> ()
    %run_scoped3A_41 = arith.constant 1 : i32
    "tpu.region"() ({
      %run_scoped3A_45 = tpu.sem_alloc : memref<!tpu.dma_semaphore, #tpu.memory_space<semaphore_mem>>
      %dma_start3A_46 = arith.constant 512 : i32
      %dma_start3A_47 = tpu.memref_slice %arg10[%dma_start3A_46] : memref<2560xf32, #tpu.memory_space<vmem>> -> memref<512xf32, #tpu.memory_space<vmem>>
      %dma_start3A_48 = tpu.memref_slice %arg8[%run_scoped3A_41, %mul3A_2] : memref<5x16384xf32, #tpu.memory_space<hbm>> -> memref<1x512xf32, #tpu.memory_space<hbm>>
      %dma_start3A_49 = tpu.memref_squeeze %dma_start3A_48 : memref<1x512xf32, #tpu.memory_space<hbm>> -> memref<512xf32, #tpu.memory_space<hbm>>
      %dma_start3A_50 = tpu.memref_slice %arg8[%run_scoped3A_41, %mul3A_2] : memref<5x16384xf32, #tpu.memory_space<hbm>> -> memref<1x512xf32, #tpu.memory_space<hbm>>
      %dma_start3A_51 = tpu.memref_squeeze %dma_start3A_50 : memref<1x512xf32, #tpu.memory_space<hbm>> -> memref<512xf32, #tpu.memory_space<hbm>>
      %dma_start3A_52 = arith.constant 512 : i32
      %dma_start3A_53 = tpu.memref_slice %arg10[%dma_start3A_52] : memref<2560xf32, #tpu.memory_space<vmem>> -> memref<512xf32, #tpu.memory_space<vmem>>
      tpu.enqueue_dma source(%dma_start3A_53 : memref<512xf32, #tpu.memory_space<vmem>>) target(%dma_start3A_51 : memref<512xf32, #tpu.memory_space<hbm>>) target_semaphore(%run_scoped3A_45 : memref<!tpu.dma_semaphore, #tpu.memory_space<semaphore_mem>>)
      %dma_wait3A_54 = arith.constant 512 : i32
      %dma_wait3A_55 = tpu.memref_slice %arg10[%dma_wait3A_54] : memref<2560xf32, #tpu.memory_space<vmem>> -> memref<512xf32, #tpu.memory_space<vmem>>
      %dma_wait3A_56 = tpu.memref_slice %arg8[%run_scoped3A_41, %mul3A_2] : memref<5x16384xf32, #tpu.memory_space<hbm>> -> memref<1x512xf32, #tpu.memory_space<hbm>>
      %dma_wait3A_57 = tpu.memref_squeeze %dma_wait3A_56 : memref<1x512xf32, #tpu.memory_space<hbm>> -> memref<512xf32, #tpu.memory_space<hbm>>
      %dma_wait3A_58 = tpu.memref_slice %arg8[%run_scoped3A_41, %mul3A_2] : memref<5x16384xf32, #tpu.memory_space<hbm>> -> memref<1x512xf32, #tpu.memory_space<hbm>>
      %dma_wait3A_59 = tpu.memref_squeeze %dma_wait3A_58 : memref<1x512xf32, #tpu.memory_space<hbm>> -> memref<512xf32, #tpu.memory_space<hbm>>
      %dma_wait3A_60 = arith.constant 512 : i32
      %dma_wait3A_61 = tpu.memref_slice %arg10[%dma_wait3A_60] : memref<2560xf32, #tpu.memory_space<vmem>> -> memref<512xf32, #tpu.memory_space<vmem>>
      tpu.wait_dma2 semaphore(%run_scoped3A_45 : memref<!tpu.dma_semaphore, #tpu.memory_space<semaphore_mem>>) src(%dma_wait3A_61 : memref<512xf32, #tpu.memory_space<vmem>>) dst(%dma_wait3A_59 : memref<512xf32, #tpu.memory_space<hbm>>)
      tpu.yield
    }) : () -> ()
    %run_scoped3A_42 = arith.constant 2 : i32
    "tpu.region"() ({
      %run_scoped3A_45 = tpu.sem_alloc : memref<!tpu.dma_semaphore, #tpu.memory_space<semaphore_mem>>
      %dma_start3A_46 = arith.constant 1024 : i32
      %dma_start3A_47 = tpu.memref_slice %arg10[%dma_start3A_46] : memref<2560xf32, #tpu.memory_space<vmem>> -> memref<512xf32, #tpu.memory_space<vmem>>
      %dma_start3A_48 = tpu.memref_slice %arg8[%run_scoped3A_42, %mul3A_2] : memref<5x16384xf32, #tpu.memory_space<hbm>> -> memref<1x512xf32, #tpu.memory_space<hbm>>
      %dma_start3A_49 = tpu.memref_squeeze %dma_start3A_48 : memref<1x512xf32, #tpu.memory_space<hbm>> -> memref<512xf32, #tpu.memory_space<hbm>>
      %dma_start3A_50 = tpu.memref_slice %arg8[%run_scoped3A_42, %mul3A_2] : memref<5x16384xf32, #tpu.memory_space<hbm>> -> memref<1x512xf32, #tpu.memory_space<hbm>>
      %dma_start3A_51 = tpu.memref_squeeze %dma_start3A_50 : memref<1x512xf32, #tpu.memory_space<hbm>> -> memref<512xf32, #tpu.memory_space<hbm>>
      %dma_start3A_52 = arith.constant 1024 : i32
      %dma_start3A_53 = tpu.memref_slice %arg10[%dma_start3A_52] : memref<2560xf32, #tpu.memory_space<vmem>> -> memref<512xf32, #tpu.memory_space<vmem>>
      tpu.enqueue_dma source(%dma_start3A_53 : memref<512xf32, #tpu.memory_space<vmem>>) target(%dma_start3A_51 : memref<512xf32, #tpu.memory_space<hbm>>) target_semaphore(%run_scoped3A_45 : memref<!tpu.dma_semaphore, #tpu.memory_space<semaphore_mem>>)
      %dma_wait3A_54 = arith.constant 1024 : i32
      %dma_wait3A_55 = tpu.memref_slice %arg10[%dma_wait3A_54] : memref<2560xf32, #tpu.memory_space<vmem>> -> memref<512xf32, #tpu.memory_space<vmem>>
      %dma_wait3A_56 = tpu.memref_slice %arg8[%run_scoped3A_42, %mul3A_2] : memref<5x16384xf32, #tpu.memory_space<hbm>> -> memref<1x512xf32, #tpu.memory_space<hbm>>
      %dma_wait3A_57 = tpu.memref_squeeze %dma_wait3A_56 : memref<1x512xf32, #tpu.memory_space<hbm>> -> memref<512xf32, #tpu.memory_space<hbm>>
      %dma_wait3A_58 = tpu.memref_slice %arg8[%run_scoped3A_42, %mul3A_2] : memref<5x16384xf32, #tpu.memory_space<hbm>> -> memref<1x512xf32, #tpu.memory_space<hbm>>
      %dma_wait3A_59 = tpu.memref_squeeze %dma_wait3A_58 : memref<1x512xf32, #tpu.memory_space<hbm>> -> memref<512xf32, #tpu.memory_space<hbm>>
      %dma_wait3A_60 = arith.constant 1024 : i32
      %dma_wait3A_61 = tpu.memref_slice %arg10[%dma_wait3A_60] : memref<2560xf32, #tpu.memory_space<vmem>> -> memref<512xf32, #tpu.memory_space<vmem>>
      tpu.wait_dma2 semaphore(%run_scoped3A_45 : memref<!tpu.dma_semaphore, #tpu.memory_space<semaphore_mem>>) src(%dma_wait3A_61 : memref<512xf32, #tpu.memory_space<vmem>>) dst(%dma_wait3A_59 : memref<512xf32, #tpu.memory_space<hbm>>)
      tpu.yield
    }) : () -> ()
    %run_scoped3A_43 = arith.constant 3 : i32
    "tpu.region"() ({
      %run_scoped3A_45 = tpu.sem_alloc : memref<!tpu.dma_semaphore, #tpu.memory_space<semaphore_mem>>
      %dma_start3A_46 = arith.constant 1536 : i32
      %dma_start3A_47 = tpu.memref_slice %arg10[%dma_start3A_46] : memref<2560xf32, #tpu.memory_space<vmem>> -> memref<512xf32, #tpu.memory_space<vmem>>
      %dma_start3A_48 = tpu.memref_slice %arg8[%run_scoped3A_43, %mul3A_2] : memref<5x16384xf32, #tpu.memory_space<hbm>> -> memref<1x512xf32, #tpu.memory_space<hbm>>
      %dma_start3A_49 = tpu.memref_squeeze %dma_start3A_48 : memref<1x512xf32, #tpu.memory_space<hbm>> -> memref<512xf32, #tpu.memory_space<hbm>>
      %dma_start3A_50 = tpu.memref_slice %arg8[%run_scoped3A_43, %mul3A_2] : memref<5x16384xf32, #tpu.memory_space<hbm>> -> memref<1x512xf32, #tpu.memory_space<hbm>>
      %dma_start3A_51 = tpu.memref_squeeze %dma_start3A_50 : memref<1x512xf32, #tpu.memory_space<hbm>> -> memref<512xf32, #tpu.memory_space<hbm>>
      %dma_start3A_52 = arith.constant 1536 : i32
      %dma_start3A_53 = tpu.memref_slice %arg10[%dma_start3A_52] : memref<2560xf32, #tpu.memory_space<vmem>> -> memref<512xf32, #tpu.memory_space<vmem>>
      tpu.enqueue_dma source(%dma_start3A_53 : memref<512xf32, #tpu.memory_space<vmem>>) target(%dma_start3A_51 : memref<512xf32, #tpu.memory_space<hbm>>) target_semaphore(%run_scoped3A_45 : memref<!tpu.dma_semaphore, #tpu.memory_space<semaphore_mem>>)
      %dma_wait3A_54 = arith.constant 1536 : i32
      %dma_wait3A_55 = tpu.memref_slice %arg10[%dma_wait3A_54] : memref<2560xf32, #tpu.memory_space<vmem>> -> memref<512xf32, #tpu.memory_space<vmem>>
      %dma_wait3A_56 = tpu.memref_slice %arg8[%run_scoped3A_43, %mul3A_2] : memref<5x16384xf32, #tpu.memory_space<hbm>> -> memref<1x512xf32, #tpu.memory_space<hbm>>
      %dma_wait3A_57 = tpu.memref_squeeze %dma_wait3A_56 : memref<1x512xf32, #tpu.memory_space<hbm>> -> memref<512xf32, #tpu.memory_space<hbm>>
      %dma_wait3A_58 = tpu.memref_slice %arg8[%run_scoped3A_43, %mul3A_2] : memref<5x16384xf32, #tpu.memory_space<hbm>> -> memref<1x512xf32, #tpu.memory_space<hbm>>
      %dma_wait3A_59 = tpu.memref_squeeze %dma_wait3A_58 : memref<1x512xf32, #tpu.memory_space<hbm>> -> memref<512xf32, #tpu.memory_space<hbm>>
      %dma_wait3A_60 = arith.constant 1536 : i32
      %dma_wait3A_61 = tpu.memref_slice %arg10[%dma_wait3A_60] : memref<2560xf32, #tpu.memory_space<vmem>> -> memref<512xf32, #tpu.memory_space<vmem>>
      tpu.wait_dma2 semaphore(%run_scoped3A_45 : memref<!tpu.dma_semaphore, #tpu.memory_space<semaphore_mem>>) src(%dma_wait3A_61 : memref<512xf32, #tpu.memory_space<vmem>>) dst(%dma_wait3A_59 : memref<512xf32, #tpu.memory_space<hbm>>)
      tpu.yield
    }) : () -> ()
    %run_scoped3A_44 = arith.constant 4 : i32
    "tpu.region"() ({
      %run_scoped3A_45 = tpu.sem_alloc : memref<!tpu.dma_semaphore, #tpu.memory_space<semaphore_mem>>
      %dma_start3A_46 = arith.constant 2048 : i32
      %dma_start3A_47 = tpu.memref_slice %arg10[%dma_start3A_46] : memref<2560xf32, #tpu.memory_space<vmem>> -> memref<512xf32, #tpu.memory_space<vmem>>
      %dma_start3A_48 = tpu.memref_slice %arg8[%run_scoped3A_44, %mul3A_2] : memref<5x16384xf32, #tpu.memory_space<hbm>> -> memref<1x512xf32, #tpu.memory_space<hbm>>
      %dma_start3A_49 = tpu.memref_squeeze %dma_start3A_48 : memref<1x512xf32, #tpu.memory_space<hbm>> -> memref<512xf32, #tpu.memory_space<hbm>>
      %dma_start3A_50 = tpu.memref_slice %arg8[%run_scoped3A_44, %mul3A_2] : memref<5x16384xf32, #tpu.memory_space<hbm>> -> memref<1x512xf32, #tpu.memory_space<hbm>>
      %dma_start3A_51 = tpu.memref_squeeze %dma_start3A_50 : memref<1x512xf32, #tpu.memory_space<hbm>> -> memref<512xf32, #tpu.memory_space<hbm>>
      %dma_start3A_52 = arith.constant 2048 : i32
      %dma_start3A_53 = tpu.memref_slice %arg10[%dma_start3A_52] : memref<2560xf32, #tpu.memory_space<vmem>> -> memref<512xf32, #tpu.memory_space<vmem>>
      tpu.enqueue_dma source(%dma_start3A_53 : memref<512xf32, #tpu.memory_space<vmem>>) target(%dma_start3A_51 : memref<512xf32, #tpu.memory_space<hbm>>) target_semaphore(%run_scoped3A_45 : memref<!tpu.dma_semaphore, #tpu.memory_space<semaphore_mem>>)
      %dma_wait3A_54 = arith.constant 2048 : i32
      %dma_wait3A_55 = tpu.memref_slice %arg10[%dma_wait3A_54] : memref<2560xf32, #tpu.memory_space<vmem>> -> memref<512xf32, #tpu.memory_space<vmem>>
      %dma_wait3A_56 = tpu.memref_slice %arg8[%run_scoped3A_44, %mul3A_2] : memref<5x16384xf32, #tpu.memory_space<hbm>> -> memref<1x512xf32, #tpu.memory_space<hbm>>
      %dma_wait3A_57 = tpu.memref_squeeze %dma_wait3A_56 : memref<1x512xf32, #tpu.memory_space<hbm>> -> memref<512xf32, #tpu.memory_space<hbm>>
      %dma_wait3A_58 = tpu.memref_slice %arg8[%run_scoped3A_44, %mul3A_2] : memref<5x16384xf32, #tpu.memory_space<hbm>> -> memref<1x512xf32, #tpu.memory_space<hbm>>
      %dma_wait3A_59 = tpu.memref_squeeze %dma_wait3A_58 : memref<1x512xf32, #tpu.memory_space<hbm>> -> memref<512xf32, #tpu.memory_space<hbm>>
      %dma_wait3A_60 = arith.constant 2048 : i32
      %dma_wait3A_61 = tpu.memref_slice %arg10[%dma_wait3A_60] : memref<2560xf32, #tpu.memory_space<vmem>> -> memref<512xf32, #tpu.memory_space<vmem>>
      tpu.wait_dma2 semaphore(%run_scoped3A_45 : memref<!tpu.dma_semaphore, #tpu.memory_space<semaphore_mem>>) src(%dma_wait3A_61 : memref<512xf32, #tpu.memory_space<vmem>>) dst(%dma_wait3A_59 : memref<512xf32, #tpu.memory_space<hbm>>)
      tpu.yield
    }) : () -> ()
    return
  }
}

module attributes {stable_mosaic.version = 14 : i64} {
  func.func @_tc_detile_body(%arg0: i32, %arg1: memref<5x262144xf32, #tpu.memory_space<vmem>>, %arg2: memref<262144xf32, #tpu.memory_space<vmem>>, %arg3: memref<262144xf32, #tpu.memory_space<vmem>>, %arg4: memref<262144xf32, #tpu.memory_space<vmem>>, %arg5: memref<262144xf32, #tpu.memory_space<vmem>>, %arg6: memref<262144xf32, #tpu.memory_space<vmem>>) attributes {dimension_semantics = [#tpu.dimension_semantics<arbitrary>], iteration_bounds = array<i64: 4>, scalar_prefetch = 0 : i64, scratch_operands = 0 : i64, tpu.core_type = #tpu.core_type<tc>, window_params = [{transform_indices = @transform_0, window_bounds = array<i64: 5, 262144>}, {transform_indices = @transform_1, window_bounds = array<i64: 262144>}, {transform_indices = @transform_2, window_bounds = array<i64: 262144>}, {transform_indices = @transform_3, window_bounds = array<i64: 262144>}, {transform_indices = @transform_4, window_bounds = array<i64: 262144>}, {transform_indices = @transform_5, window_bounds = array<i64: 262144>}]} {
    %get3A = arith.constant 0 : index
    %get3A_0 = arith.constant 0 : index
    %get3A_1 = vector.load %arg1[%get3A, %get3A_0] : memref<5x262144xf32, #tpu.memory_space<vmem>>, vector<1x262144xf32>
    %get3A_2 = vector.shape_cast %get3A_1 : vector<1x262144xf32> to vector<262144xf32>
    %swap3A = arith.constant 0 : index
    %swap3A_3 = vector.load %arg2[%swap3A] : memref<262144xf32, #tpu.memory_space<vmem>>, vector<262144xf32>
    tpu.vector_store %arg2[%swap3A], %get3A_2 {strides = array<i32>} : memref<262144xf32, #tpu.memory_space<vmem>>, vector<262144xf32>,
    %get3A_4 = arith.constant 1 : index
    %get3A_5 = arith.constant 0 : index
    %get3A_6 = vector.load %arg1[%get3A_4, %get3A_5] : memref<5x262144xf32, #tpu.memory_space<vmem>>, vector<1x262144xf32>
    %get3A_7 = vector.shape_cast %get3A_6 : vector<1x262144xf32> to vector<262144xf32>
    %swap3A_8 = arith.constant 0 : index
    %swap3A_9 = vector.load %arg3[%swap3A_8] : memref<262144xf32, #tpu.memory_space<vmem>>, vector<262144xf32>
    tpu.vector_store %arg3[%swap3A_8], %get3A_7 {strides = array<i32>} : memref<262144xf32, #tpu.memory_space<vmem>>, vector<262144xf32>,
    %get3A_10 = arith.constant 2 : index
    %get3A_11 = arith.constant 0 : index
    %get3A_12 = vector.load %arg1[%get3A_10, %get3A_11] : memref<5x262144xf32, #tpu.memory_space<vmem>>, vector<1x262144xf32>
    %get3A_13 = vector.shape_cast %get3A_12 : vector<1x262144xf32> to vector<262144xf32>
    %swap3A_14 = arith.constant 0 : index
    %swap3A_15 = vector.load %arg4[%swap3A_14] : memref<262144xf32, #tpu.memory_space<vmem>>, vector<262144xf32>
    tpu.vector_store %arg4[%swap3A_14], %get3A_13 {strides = array<i32>} : memref<262144xf32, #tpu.memory_space<vmem>>, vector<262144xf32>,
    %get3A_16 = arith.constant 3 : index
    %get3A_17 = arith.constant 0 : index
    %get3A_18 = vector.load %arg1[%get3A_16, %get3A_17] : memref<5x262144xf32, #tpu.memory_space<vmem>>, vector<1x262144xf32>
    %get3A_19 = vector.shape_cast %get3A_18 : vector<1x262144xf32> to vector<262144xf32>
    %swap3A_20 = arith.constant 0 : index
    %swap3A_21 = vector.load %arg5[%swap3A_20] : memref<262144xf32, #tpu.memory_space<vmem>>, vector<262144xf32>
    tpu.vector_store %arg5[%swap3A_20], %get3A_19 {strides = array<i32>} : memref<262144xf32, #tpu.memory_space<vmem>>, vector<262144xf32>,
    %get3A_22 = arith.constant 4 : index
    %get3A_23 = arith.constant 0 : index
    %get3A_24 = vector.load %arg1[%get3A_22, %get3A_23] : memref<5x262144xf32, #tpu.memory_space<vmem>>, vector<1x262144xf32>
    %get3A_25 = vector.shape_cast %get3A_24 : vector<1x262144xf32> to vector<262144xf32>
    %swap3A_26 = arith.constant 0 : index
    %swap3A_27 = vector.load %arg6[%swap3A_26] : memref<262144xf32, #tpu.memory_space<vmem>>, vector<262144xf32>
    tpu.vector_store %arg6[%swap3A_26], %get3A_25 {strides = array<i32>} : memref<262144xf32, #tpu.memory_space<vmem>>, vector<262144xf32>,
    return
  }
  func.func @transform_0(%arg0: i32) -> (i32, i32) {
    %c0_i32 = arith.constant 0 : i32
    %c0_i32_0 = arith.constant 0 : i32
    return %c0_i32, %arg0 : i32, i32
  }
  func.func @transform_1(%arg0: i32) -> i32 {
    %c0_i32 = arith.constant 0 : i32
    return %arg0 : i32
  }
  func.func @transform_2(%arg0: i32) -> i32 {
    %c0_i32 = arith.constant 0 : i32
    return %arg0 : i32
  }
  func.func @transform_3(%arg0: i32) -> i32 {
    %c0_i32 = arith.constant 0 : i32
    return %arg0 : i32
  }
  func.func @transform_4(%arg0: i32) -> i32 {
    %c0_i32 = arith.constant 0 : i32
    return %arg0 : i32
  }
  func.func @transform_5(%arg0: i32) -> i32 {
    %c0_i32 = arith.constant 0 : i32
    return %arg0 : i32
  }
}

module attributes {stable_mosaic.version = 14 : i64} {
  func.func @_tc_body(%arg0: i32, %arg1: memref<5x4096xf32, #tpu.memory_space<vmem>>, %arg2: memref<5x4096xf32, #tpu.memory_space<vmem>>, %arg3: memref<1x4096xf32, #tpu.memory_space<vmem>>, %arg4: memref<1x4096xf32, #tpu.memory_space<vmem>>, %arg5: memref<5x4096xf32, #tpu.memory_space<vmem>>, %arg6: memref<5x4096xf32, #tpu.memory_space<vmem>>) attributes {dimension_semantics = [#tpu.dimension_semantics<arbitrary>], iteration_bounds = array<i64: 4>, scalar_prefetch = 0 : i64, scratch_operands = 0 : i64, tpu.core_type = #tpu.core_type<tc>, window_params = [{transform_indices = @transform_0, window_bounds = array<i64: 5, 4096>}, {transform_indices = @transform_1, window_bounds = array<i64: 5, 4096>}, {transform_indices = @transform_2, window_bounds = array<i64: 1, 4096>}, {transform_indices = @transform_3, window_bounds = array<i64: 1, 4096>}, {transform_indices = @transform_4, window_bounds = array<i64: 5, 4096>}, {transform_indices = @transform_5, window_bounds = array<i64: 5, 4096>}]} {
    %get3A = arith.constant 0 : index
    %get3A_0 = arith.constant 0 : index
    %get3A_1 = vector.load %arg1[%get3A, %get3A_0] : memref<5x4096xf32, #tpu.memory_space<vmem>>, vector<5x4096xf32>
    %get3A_2 = arith.constant 0 : index
    %get3A_3 = arith.constant 0 : index
    %get3A_4 = vector.load %arg2[%get3A_2, %get3A_3] : memref<5x4096xf32, #tpu.memory_space<vmem>>, vector<5x4096xf32>
    %add3A = arith.addf %get3A_1, %get3A_4 : vector<5x4096xf32>
    %exp3A = math.exp %add3A : vector<5x4096xf32>
    %slice3A = vector.extract_strided_slice %exp3A {offsets = [0, 0], sizes = [1, 4096], strides = [1, 1]} : vector<5x4096xf32> to vector<1x4096xf32>
    %slice3A_5 = vector.extract_strided_slice %exp3A {offsets = [1, 0], sizes = [1, 4096], strides = [1, 1]} : vector<5x4096xf32> to vector<1x4096xf32>
    %add3A_6 = arith.addf %slice3A, %slice3A_5 : vector<1x4096xf32>
    %slice3A_7 = vector.extract_strided_slice %exp3A {offsets = [2, 0], sizes = [1, 4096], strides = [1, 1]} : vector<5x4096xf32> to vector<1x4096xf32>
    %add3A_8 = arith.addf %add3A_6, %slice3A_7 : vector<1x4096xf32>
    %slice3A_9 = vector.extract_strided_slice %exp3A {offsets = [3, 0], sizes = [1, 4096], strides = [1, 1]} : vector<5x4096xf32> to vector<1x4096xf32>
    %add3A_10 = arith.addf %add3A_8, %slice3A_9 : vector<1x4096xf32>
    %slice3A_11 = vector.extract_strided_slice %exp3A {offsets = [4, 0], sizes = [1, 4096], strides = [1, 1]} : vector<5x4096xf32> to vector<1x4096xf32>
    %add3A_12 = arith.addf %add3A_10, %slice3A_11 : vector<1x4096xf32>
    %div3A = arith.constant 1.000000e+00 : f32
    %div3A_13 = vector.broadcast %div3A : f32 to vector<1x4096xf32>
    %div3A_14 = arith.divf %div3A_13, %add3A_12 : vector<1x4096xf32>
    %mul3A = arith.mulf %slice3A, %div3A_14 : vector<1x4096xf32>
    %mul3A_15 = arith.mulf %add3A_6, %div3A_14 : vector<1x4096xf32>
    %mul3A_16 = arith.mulf %add3A_8, %div3A_14 : vector<1x4096xf32>
    %mul3A_17 = arith.mulf %add3A_10, %div3A_14 : vector<1x4096xf32>
    %broadcast_in_dim3A = arith.constant 1.000000e+00 : f32
    %broadcast_in_dim3A_18 = vector.broadcast %broadcast_in_dim3A : f32 to vector<1x4096xf32>
    %concatenate3A = tpu.concatenate %mul3A, %mul3A_15, %mul3A_16, %mul3A_17, %broadcast_in_dim3A_18 in 0 : vector<1x4096xf32>, vector<1x4096xf32>, vector<1x4096xf32>, vector<1x4096xf32>, vector<1x4096xf32> -> vector<5x4096xf32>
    %swap3A = arith.constant 0 : index
    %swap3A_19 = arith.constant 0 : index
    %swap3A_20 = vector.load %arg6[%swap3A, %swap3A_19] : memref<5x4096xf32, #tpu.memory_space<vmem>>, vector<5x4096xf32>
    tpu.vector_store %arg6[%swap3A, %swap3A_19], %concatenate3A {strides = array<i32>} : memref<5x4096xf32, #tpu.memory_space<vmem>>, vector<5x4096xf32>,
    %concatenate3A_21 = tpu.concatenate %mul3A, %mul3A_15, %mul3A_16, %mul3A_17 in 0 : vector<1x4096xf32>, vector<1x4096xf32>, vector<1x4096xf32>, vector<1x4096xf32> -> vector<4x4096xf32>
    %get3A_22 = arith.constant 0 : index
    %get3A_23 = arith.constant 0 : index
    %get3A_24 = vector.load %arg3[%get3A_22, %get3A_23] : memref<1x4096xf32, #tpu.memory_space<vmem>>, vector<1x4096xf32>
    %broadcast_in_dim3A_25 = vector.shape_cast %get3A_24 : vector<1x4096xf32> to vector<1x4096xf32>
    %broadcast_in_dim3A_26 = vector.broadcast %broadcast_in_dim3A_25 : vector<1x4096xf32> to vector<4x4096xf32>
    %get3A_27 = arith.constant 0 : index
    %get3A_28 = arith.constant 0 : index
    %get3A_29 = vector.load %arg4[%get3A_27, %get3A_28] : memref<1x4096xf32, #tpu.memory_space<vmem>>, vector<1x4096xf32>
    %broadcast_in_dim3A_30 = vector.shape_cast %get3A_29 : vector<1x4096xf32> to vector<1x4096xf32>
    %broadcast_in_dim3A_31 = vector.broadcast %broadcast_in_dim3A_30 : vector<1x4096xf32> to vector<4x4096xf32>
    %max3A = arith.constant 9.99999996E-13 : f32
    %max3A_32 = vector.broadcast %max3A : f32 to vector<4x4096xf32>
    %max3A_33 = arith.maximumf %broadcast_in_dim3A_26, %max3A_32 : vector<4x4096xf32>
    %max3A_34 = arith.constant 9.99999996E-13 : f32
    %max3A_35 = vector.broadcast %max3A_34 : f32 to vector<4x4096xf32>
    %max3A_36 = arith.maximumf %broadcast_in_dim3A_31, %max3A_35 : vector<4x4096xf32>
    %add3A_37 = arith.constant 1.000000e+00 : f32
    %add3A_38 = vector.broadcast %add3A_37 : f32 to vector<4x4096xf32>
    %add3A_39 = arith.addf %max3A_33, %add3A_38 : vector<4x4096xf32>
    %add3A_40 = arith.addf %max3A_33, %max3A_36 : vector<4x4096xf32>
    %add3A_41 = arith.constant 2.000000e+00 : f32
    %add3A_42 = vector.broadcast %add3A_41 : f32 to vector<4x4096xf32>
    %add3A_43 = arith.addf %add3A_40, %add3A_42 : vector<4x4096xf32>
    %div3A_44 = arith.divf %add3A_39, %add3A_43 : vector<4x4096xf32>
    %gt3A = arith.cmpf ogt, %concatenate3A_21, %div3A_44 : vector<4x4096xf32>
    %select_n3A = arith.select %gt3A, %max3A_36, %max3A_33 : vector<4x4096xi1>, vector<4x4096xf32>
    %select_n3A_45 = arith.select %gt3A, %max3A_33, %max3A_36 : vector<4x4096xi1>, vector<4x4096xf32>
    %sub3A = arith.constant 1.000000e+00 : f32
    %sub3A_46 = vector.broadcast %sub3A : f32 to vector<4x4096xf32>
    %sub3A_47 = arith.subf %sub3A_46, %concatenate3A_21 : vector<4x4096xf32>
    %select_n3A_48 = arith.select %gt3A, %sub3A_47, %concatenate3A_21 : vector<4x4096xi1>, vector<4x4096xf32>
    %jit3A = arith.constant 1.000000e-30 : f32
    %jit3A_49 = arith.constant 1.000000e+00 : f32
    %max3A_50 = vector.broadcast %jit3A : f32 to vector<4x4096xf32>
    %max3A_51 = arith.maximumf %max3A_50, %select_n3A_48 : vector<4x4096xf32>
    %min3A = vector.broadcast %jit3A_49 : f32 to vector<4x4096xf32>
    %min3A_52 = arith.minimumf %min3A, %max3A_51 : vector<4x4096xf32>
    %log3A = math.log %min3A_52 : vector<4x4096xf32>
    %mul3A_53 = arith.mulf %select_n3A, %log3A : vector<4x4096xf32>
    %sub3A_54 = arith.constant 1.000000e+00 : f32
    %sub3A_55 = vector.broadcast %sub3A_54 : f32 to vector<4x4096xf32>
    %sub3A_56 = arith.subf %sub3A_55, %min3A_52 : vector<4x4096xf32>
    %log3A_57 = math.log %sub3A_56 : vector<4x4096xf32>
    %mul3A_58 = arith.mulf %select_n3A_45, %log3A_57 : vector<4x4096xf32>
    %add3A_59 = arith.addf %mul3A_53, %mul3A_58 : vector<4x4096xf32>
    %add3A_60 = arith.addf %select_n3A, %select_n3A_45 : vector<4x4096xf32>
    %add3A_61 = arith.constant 6.000000e+00 : f32
    %add3A_62 = vector.broadcast %add3A_61 : f32 to vector<4x4096xf32>
    %add3A_63 = arith.addf %add3A_60, %add3A_62 : vector<4x4096xf32>
    %log3A_64 = math.log %add3A_60 : vector<4x4096xf32>
    %add3A_65 = arith.constant 1.000000e+00 : f32
    %add3A_66 = vector.broadcast %add3A_65 : f32 to vector<4x4096xf32>
    %add3A_67 = arith.addf %add3A_60, %add3A_66 : vector<4x4096xf32>
    %log3A_68 = math.log %add3A_67 : vector<4x4096xf32>
    %add3A_69 = arith.addf %log3A_64, %log3A_68 : vector<4x4096xf32>
    %add3A_70 = arith.constant 2.000000e+00 : f32
    %add3A_71 = vector.broadcast %add3A_70 : f32 to vector<4x4096xf32>
    %add3A_72 = arith.addf %add3A_60, %add3A_71 : vector<4x4096xf32>
    %log3A_73 = math.log %add3A_72 : vector<4x4096xf32>
    %add3A_74 = arith.addf %add3A_69, %log3A_73 : vector<4x4096xf32>
    %add3A_75 = arith.constant 3.000000e+00 : f32
    %add3A_76 = vector.broadcast %add3A_75 : f32 to vector<4x4096xf32>
    %add3A_77 = arith.addf %add3A_60, %add3A_76 : vector<4x4096xf32>
    %log3A_78 = math.log %add3A_77 : vector<4x4096xf32>
    %add3A_79 = arith.addf %add3A_74, %log3A_78 : vector<4x4096xf32>
    %add3A_80 = arith.constant 4.000000e+00 : f32
    %add3A_81 = vector.broadcast %add3A_80 : f32 to vector<4x4096xf32>
    %add3A_82 = arith.addf %add3A_60, %add3A_81 : vector<4x4096xf32>
    %log3A_83 = math.log %add3A_82 : vector<4x4096xf32>
    %add3A_84 = arith.addf %add3A_79, %log3A_83 : vector<4x4096xf32>
    %add3A_85 = arith.constant 5.000000e+00 : f32
    %add3A_86 = vector.broadcast %add3A_85 : f32 to vector<4x4096xf32>
    %add3A_87 = arith.addf %add3A_60, %add3A_86 : vector<4x4096xf32>
    %log3A_88 = math.log %add3A_87 : vector<4x4096xf32>
    %add3A_89 = arith.addf %add3A_84, %log3A_88 : vector<4x4096xf32>
    %div3A_90 = arith.constant 1.000000e+00 : f32
    %div3A_91 = vector.broadcast %div3A_90 : f32 to vector<4x4096xf32>
    %div3A_92 = arith.divf %div3A_91, %add3A_63 : vector<4x4096xf32>
    %mul3A_93 = arith.mulf %div3A_92, %div3A_92 : vector<4x4096xf32>
    %sub3A_94 = arith.constant 5.000000e-01 : f32
    %sub3A_95 = vector.broadcast %sub3A_94 : f32 to vector<4x4096xf32>
    %sub3A_96 = arith.subf %add3A_63, %sub3A_95 : vector<4x4096xf32>
    %log3A_97 = math.log %add3A_63 : vector<4x4096xf32>
    %mul3A_98 = arith.mulf %sub3A_96, %log3A_97 : vector<4x4096xf32>
    %sub3A_99 = arith.subf %mul3A_98, %add3A_63 : vector<4x4096xf32>
    %add3A_100 = arith.constant 0.918938517 : f32
    %add3A_101 = vector.broadcast %add3A_100 : f32 to vector<4x4096xf32>
    %add3A_102 = arith.addf %sub3A_99, %add3A_101 : vector<4x4096xf32>
    %mul3A_103 = arith.constant 0.00277777785 : f32
    %mul3A_104 = vector.broadcast %mul3A_103 : f32 to vector<4x4096xf32>
    %mul3A_105 = arith.mulf %mul3A_93, %mul3A_104 : vector<4x4096xf32>
    %sub3A_106 = arith.constant 0.0833333358 : f32
    %sub3A_107 = vector.broadcast %sub3A_106 : f32 to vector<4x4096xf32>
    %sub3A_108 = arith.subf %sub3A_107, %mul3A_105 : vector<4x4096xf32>
    %mul3A_109 = arith.mulf %div3A_92, %sub3A_108 : vector<4x4096xf32>
    %add3A_110 = arith.addf %add3A_102, %mul3A_109 : vector<4x4096xf32>
    %sub3A_111 = arith.subf %add3A_110, %add3A_89 : vector<4x4096xf32>
    %add3A_112 = arith.addf %add3A_59, %sub3A_111 : vector<4x4096xf32>
    %add3A_113 = arith.constant 6.000000e+00 : f32
    %add3A_114 = vector.broadcast %add3A_113 : f32 to vector<4x4096xf32>
    %add3A_115 = arith.addf %select_n3A, %add3A_114 : vector<4x4096xf32>
    %log3A_116 = math.log %select_n3A : vector<4x4096xf32>
    %add3A_117 = arith.constant 1.000000e+00 : f32
    %add3A_118 = vector.broadcast %add3A_117 : f32 to vector<4x4096xf32>
    %add3A_119 = arith.addf %select_n3A, %add3A_118 : vector<4x4096xf32>
    %log3A_120 = math.log %add3A_119 : vector<4x4096xf32>
    %add3A_121 = arith.addf %log3A_116, %log3A_120 : vector<4x4096xf32>
    %add3A_122 = arith.constant 2.000000e+00 : f32
    %add3A_123 = vector.broadcast %add3A_122 : f32 to vector<4x4096xf32>
    %add3A_124 = arith.addf %select_n3A, %add3A_123 : vector<4x4096xf32>
    %log3A_125 = math.log %add3A_124 : vector<4x4096xf32>
    %add3A_126 = arith.addf %add3A_121, %log3A_125 : vector<4x4096xf32>
    %add3A_127 = arith.constant 3.000000e+00 : f32
    %add3A_128 = vector.broadcast %add3A_127 : f32 to vector<4x4096xf32>
    %add3A_129 = arith.addf %select_n3A, %add3A_128 : vector<4x4096xf32>
    %log3A_130 = math.log %add3A_129 : vector<4x4096xf32>
    %add3A_131 = arith.addf %add3A_126, %log3A_130 : vector<4x4096xf32>
    %add3A_132 = arith.constant 4.000000e+00 : f32
    %add3A_133 = vector.broadcast %add3A_132 : f32 to vector<4x4096xf32>
    %add3A_134 = arith.addf %select_n3A, %add3A_133 : vector<4x4096xf32>
    %log3A_135 = math.log %add3A_134 : vector<4x4096xf32>
    %add3A_136 = arith.addf %add3A_131, %log3A_135 : vector<4x4096xf32>
    %add3A_137 = arith.constant 5.000000e+00 : f32
    %add3A_138 = vector.broadcast %add3A_137 : f32 to vector<4x4096xf32>
    %add3A_139 = arith.addf %select_n3A, %add3A_138 : vector<4x4096xf32>
    %log3A_140 = math.log %add3A_139 : vector<4x4096xf32>
    %add3A_141 = arith.addf %add3A_136, %log3A_140 : vector<4x4096xf32>
    %div3A_142 = arith.constant 1.000000e+00 : f32
    %div3A_143 = vector.broadcast %div3A_142 : f32 to vector<4x4096xf32>
    %div3A_144 = arith.divf %div3A_143, %add3A_115 : vector<4x4096xf32>
    %mul3A_145 = arith.mulf %div3A_144, %div3A_144 : vector<4x4096xf32>
    %sub3A_146 = arith.constant 5.000000e-01 : f32
    %sub3A_147 = vector.broadcast %sub3A_146 : f32 to vector<4x4096xf32>
    %sub3A_148 = arith.subf %add3A_115, %sub3A_147 : vector<4x4096xf32>
    %log3A_149 = math.log %add3A_115 : vector<4x4096xf32>
    %mul3A_150 = arith.mulf %sub3A_148, %log3A_149 : vector<4x4096xf32>
    %sub3A_151 = arith.subf %mul3A_150, %add3A_115 : vector<4x4096xf32>
    %add3A_152 = arith.constant 0.918938517 : f32
    %add3A_153 = vector.broadcast %add3A_152 : f32 to vector<4x4096xf32>
    %add3A_154 = arith.addf %sub3A_151, %add3A_153 : vector<4x4096xf32>
    %mul3A_155 = arith.constant 0.00277777785 : f32
    %mul3A_156 = vector.broadcast %mul3A_155 : f32 to vector<4x4096xf32>
    %mul3A_157 = arith.mulf %mul3A_145, %mul3A_156 : vector<4x4096xf32>
    %sub3A_158 = arith.constant 0.0833333358 : f32
    %sub3A_159 = vector.broadcast %sub3A_158 : f32 to vector<4x4096xf32>
    %sub3A_160 = arith.subf %sub3A_159, %mul3A_157 : vector<4x4096xf32>
    %mul3A_161 = arith.mulf %div3A_144, %sub3A_160 : vector<4x4096xf32>
    %add3A_162 = arith.addf %add3A_154, %mul3A_161 : vector<4x4096xf32>
    %sub3A_163 = arith.subf %add3A_162, %add3A_141 : vector<4x4096xf32>
    %sub3A_164 = arith.subf %add3A_112, %sub3A_163 : vector<4x4096xf32>
    %add3A_165 = arith.constant 6.000000e+00 : f32
    %add3A_166 = vector.broadcast %add3A_165 : f32 to vector<4x4096xf32>
    %add3A_167 = arith.addf %select_n3A_45, %add3A_166 : vector<4x4096xf32>
    %log3A_168 = math.log %select_n3A_45 : vector<4x4096xf32>
    %add3A_169 = arith.constant 1.000000e+00 : f32
    %add3A_170 = vector.broadcast %add3A_169 : f32 to vector<4x4096xf32>
    %add3A_171 = arith.addf %select_n3A_45, %add3A_170 : vector<4x4096xf32>
    %log3A_172 = math.log %add3A_171 : vector<4x4096xf32>
    %add3A_173 = arith.addf %log3A_168, %log3A_172 : vector<4x4096xf32>
    %add3A_174 = arith.constant 2.000000e+00 : f32
    %add3A_175 = vector.broadcast %add3A_174 : f32 to vector<4x4096xf32>
    %add3A_176 = arith.addf %select_n3A_45, %add3A_175 : vector<4x4096xf32>
    %log3A_177 = math.log %add3A_176 : vector<4x4096xf32>
    %add3A_178 = arith.addf %add3A_173, %log3A_177 : vector<4x4096xf32>
    %add3A_179 = arith.constant 3.000000e+00 : f32
    %add3A_180 = vector.broadcast %add3A_179 : f32 to vector<4x4096xf32>
    %add3A_181 = arith.addf %select_n3A_45, %add3A_180 : vector<4x4096xf32>
    %log3A_182 = math.log %add3A_181 : vector<4x4096xf32>
    %add3A_183 = arith.addf %add3A_178, %log3A_182 : vector<4x4096xf32>
    %add3A_184 = arith.constant 4.000000e+00 : f32
    %add3A_185 = vector.broadcast %add3A_184 : f32 to vector<4x4096xf32>
    %add3A_186 = arith.addf %select_n3A_45, %add3A_185 : vector<4x4096xf32>
    %log3A_187 = math.log %add3A_186 : vector<4x4096xf32>
    %add3A_188 = arith.addf %add3A_183, %log3A_187 : vector<4x4096xf32>
    %add3A_189 = arith.constant 5.000000e+00 : f32
    %add3A_190 = vector.broadcast %add3A_189 : f32 to vector<4x4096xf32>
    %add3A_191 = arith.addf %select_n3A_45, %add3A_190 : vector<4x4096xf32>
    %log3A_192 = math.log %add3A_191 : vector<4x4096xf32>
    %add3A_193 = arith.addf %add3A_188, %log3A_192 : vector<4x4096xf32>
    %div3A_194 = arith.constant 1.000000e+00 : f32
    %div3A_195 = vector.broadcast %div3A_194 : f32 to vector<4x4096xf32>
    %div3A_196 = arith.divf %div3A_195, %add3A_167 : vector<4x4096xf32>
    %mul3A_197 = arith.mulf %div3A_196, %div3A_196 : vector<4x4096xf32>
    %sub3A_198 = arith.constant 5.000000e-01 : f32
    %sub3A_199 = vector.broadcast %sub3A_198 : f32 to vector<4x4096xf32>
    %sub3A_200 = arith.subf %add3A_167, %sub3A_199 : vector<4x4096xf32>
    %log3A_201 = math.log %add3A_167 : vector<4x4096xf32>
    %mul3A_202 = arith.mulf %sub3A_200, %log3A_201 : vector<4x4096xf32>
    %sub3A_203 = arith.subf %mul3A_202, %add3A_167 : vector<4x4096xf32>
    %add3A_204 = arith.constant 0.918938517 : f32
    %add3A_205 = vector.broadcast %add3A_204 : f32 to vector<4x4096xf32>
    %add3A_206 = arith.addf %sub3A_203, %add3A_205 : vector<4x4096xf32>
    %mul3A_207 = arith.constant 0.00277777785 : f32
    %mul3A_208 = vector.broadcast %mul3A_207 : f32 to vector<4x4096xf32>
    %mul3A_209 = arith.mulf %mul3A_197, %mul3A_208 : vector<4x4096xf32>
    %sub3A_210 = arith.constant 0.0833333358 : f32
    %sub3A_211 = vector.broadcast %sub3A_210 : f32 to vector<4x4096xf32>
    %sub3A_212 = arith.subf %sub3A_211, %mul3A_209 : vector<4x4096xf32>
    %mul3A_213 = arith.mulf %div3A_196, %sub3A_212 : vector<4x4096xf32>
    %add3A_214 = arith.addf %add3A_206, %mul3A_213 : vector<4x4096xf32>
    %sub3A_215 = arith.subf %add3A_214, %add3A_193 : vector<4x4096xf32>
    %sub3A_216 = arith.subf %sub3A_164, %sub3A_215 : vector<4x4096xf32>
    %exp3A_217 = math.exp %sub3A_216 : vector<4x4096xf32>
    %div3A_218 = arith.divf %exp3A_217, %select_n3A : vector<4x4096xf32>
    %add3A_219 = arith.addf %select_n3A, %select_n3A_45 : vector<4x4096xf32>
    %add3A_220 = arith.constant 1.000000e+00 : f32
    %add3A_221 = vector.broadcast %add3A_220 : f32 to vector<4x4096xf32>
    %add3A_222 = arith.addf %select_n3A, %add3A_221 : vector<4x4096xf32>
    %sub3A_223 = arith.constant 1.000000e+00 : f32
    %sub3A_224 = vector.broadcast %sub3A_223 : f32 to vector<4x4096xf32>
    %sub3A_225 = arith.subf %select_n3A, %sub3A_224 : vector<4x4096xf32>
    %broadcast_in_dim3A_226 = arith.constant 1.000000e+00 : f32
    %broadcast_in_dim3A_227 = vector.broadcast %broadcast_in_dim3A_226 : f32 to vector<4x4096xf32>
    %mul3A_228 = arith.mulf %add3A_219, %min3A_52 : vector<4x4096xf32>
    %div3A_229 = arith.divf %mul3A_228, %add3A_222 : vector<4x4096xf32>
    %sub3A_230 = arith.constant 1.000000e+00 : f32
    %sub3A_231 = vector.broadcast %sub3A_230 : f32 to vector<4x4096xf32>
    %sub3A_232 = arith.subf %sub3A_231, %div3A_229 : vector<4x4096xf32>
    %abs3A = math.absf %sub3A_232 : vector<4x4096xf32>
    %lt3A = arith.constant 1.000000e-30 : f32
    %lt3A_233 = vector.broadcast %lt3A : f32 to vector<4x4096xf32>
    %lt3A_234 = arith.cmpf olt, %abs3A, %lt3A_233 : vector<4x4096xf32>
    %jit3A_235 = arith.constant 1.000000e-30 : f32
    %broadcast_in_dim3A_236 = vector.broadcast %jit3A_235 : f32 to vector<4x4096xf32>
    %select_n3A_237 = arith.select %lt3A_234, %broadcast_in_dim3A_236, %sub3A_232 : vector<4x4096xi1>, vector<4x4096xf32>
    %div3A_238 = arith.constant 1.000000e+00 : f32
    %div3A_239 = vector.broadcast %div3A_238 : f32 to vector<4x4096xf32>
    %div3A_240 = arith.divf %div3A_239, %select_n3A_237 : vector<4x4096xf32>
    %sub3A_241 = arith.constant 1.000000e+00 : f32
    %sub3A_242 = vector.broadcast %sub3A_241 : f32 to vector<4x4096xf32>
    %sub3A_243 = arith.subf %select_n3A_45, %sub3A_242 : vector<4x4096xf32>
    %mul3A_244 = arith.constant 1.000000e+00 : f32
    %mul3A_245 = vector.broadcast %mul3A_244 : f32 to vector<4x4096xf32>
    %mul3A_246 = arith.mulf %mul3A_245, %sub3A_243 : vector<4x4096xf32>
    %mul3A_247 = arith.mulf %mul3A_246, %min3A_52 : vector<4x4096xf32>
    %add3A_248 = arith.constant 2.000000e+00 : f32
    %add3A_249 = vector.broadcast %add3A_248 : f32 to vector<4x4096xf32>
    %add3A_250 = arith.addf %sub3A_225, %add3A_249 : vector<4x4096xf32>
    %add3A_251 = arith.constant 2.000000e+00 : f32
    %add3A_252 = vector.broadcast %add3A_251 : f32 to vector<4x4096xf32>
    %add3A_253 = arith.addf %select_n3A, %add3A_252 : vector<4x4096xf32>
    %mul3A_254 = arith.mulf %add3A_250, %add3A_253 : vector<4x4096xf32>
    %div3A_255 = arith.divf %mul3A_247, %mul3A_254 : vector<4x4096xf32>
    %mul3A_256 = arith.mulf %div3A_255, %div3A_240 : vector<4x4096xf32>
    %add3A_257 = arith.constant 1.000000e+00 : f32
    %add3A_258 = vector.broadcast %add3A_257 : f32 to vector<4x4096xf32>
    %add3A_259 = arith.addf %add3A_258, %mul3A_256 : vector<4x4096xf32>
    %abs3A_260 = math.absf %add3A_259 : vector<4x4096xf32>
    %lt3A_261 = arith.constant 1.000000e-30 : f32
    %lt3A_262 = vector.broadcast %lt3A_261 : f32 to vector<4x4096xf32>
    %lt3A_263 = arith.cmpf olt, %abs3A_260, %lt3A_262 : vector<4x4096xf32>
    %jit3A_264 = arith.constant 1.000000e-30 : f32
    %broadcast_in_dim3A_265 = vector.broadcast %jit3A_264 : f32 to vector<4x4096xf32>
    %select_n3A_266 = arith.select %lt3A_263, %broadcast_in_dim3A_265, %add3A_259 : vector<4x4096xi1>, vector<4x4096xf32>
    %div3A_267 = arith.divf %div3A_255, %broadcast_in_dim3A_227 : vector<4x4096xf32>
    %add3A_268 = arith.constant 1.000000e+00 : f32
    %add3A_269 = vector.broadcast %add3A_268 : f32 to vector<4x4096xf32>
    %add3A_270 = arith.addf %add3A_269, %div3A_267 : vector<4x4096xf32>
    %abs3A_271 = math.absf %add3A_270 : vector<4x4096xf32>
    %lt3A_272 = arith.constant 1.000000e-30 : f32
    %lt3A_273 = vector.broadcast %lt3A_272 : f32 to vector<4x4096xf32>
    %lt3A_274 = arith.cmpf olt, %abs3A_271, %lt3A_273 : vector<4x4096xf32>
    %jit3A_275 = arith.constant 1.000000e-30 : f32
    %broadcast_in_dim3A_276 = vector.broadcast %jit3A_275 : f32 to vector<4x4096xf32>
    %select_n3A_277 = arith.select %lt3A_274, %broadcast_in_dim3A_276, %add3A_270 : vector<4x4096xi1>, vector<4x4096xf32>
    %div3A_278 = arith.constant 1.000000e+00 : f32
    %div3A_279 = vector.broadcast %div3A_278 : f32 to vector<4x4096xf32>
    %div3A_280 = arith.divf %div3A_279, %select_n3A_266 : vector<4x4096xf32>
    %mul3A_281 = arith.mulf %div3A_240, %div3A_280 : vector<4x4096xf32>
    %mul3A_282 = arith.mulf %mul3A_281, %select_n3A_277 : vector<4x4096xf32>
    %add3A_283 = arith.constant 1.000000e+00 : f32
    %add3A_284 = vector.broadcast %add3A_283 : f32 to vector<4x4096xf32>
    %add3A_285 = arith.addf %select_n3A, %add3A_284 : vector<4x4096xf32>
    %neg3A = arith.constant 0.000000e+00 : f32
    %neg3A_286 = vector.broadcast %neg3A : f32 to vector<4x4096xf32>
    %neg3A_287 = arith.subf %neg3A_286, %add3A_285 : vector<4x4096xf32>
    %add3A_288 = arith.constant 1.000000e+00 : f32
    %add3A_289 = vector.broadcast %add3A_288 : f32 to vector<4x4096xf32>
    %add3A_290 = arith.addf %add3A_219, %add3A_289 : vector<4x4096xf32>
    %mul3A_291 = arith.mulf %neg3A_287, %add3A_290 : vector<4x4096xf32>
    %mul3A_292 = arith.mulf %mul3A_291, %min3A_52 : vector<4x4096xf32>
    %add3A_293 = arith.constant 2.000000e+00 : f32
    %add3A_294 = vector.broadcast %add3A_293 : f32 to vector<4x4096xf32>
    %add3A_295 = arith.addf %select_n3A, %add3A_294 : vector<4x4096xf32>
    %add3A_296 = arith.constant 2.000000e+00 : f32
    %add3A_297 = vector.broadcast %add3A_296 : f32 to vector<4x4096xf32>
    %add3A_298 = arith.addf %add3A_222, %add3A_297 : vector<4x4096xf32>
    %mul3A_299 = arith.mulf %add3A_295, %add3A_298 : vector<4x4096xf32>
    %div3A_300 = arith.divf %mul3A_292, %mul3A_299 : vector<4x4096xf32>
    %mul3A_301 = arith.mulf %div3A_300, %div3A_280 : vector<4x4096xf32>
    %add3A_302 = arith.constant 1.000000e+00 : f32
    %add3A_303 = vector.broadcast %add3A_302 : f32 to vector<4x4096xf32>
    %add3A_304 = arith.addf %add3A_303, %mul3A_301 : vector<4x4096xf32>
    %abs3A_305 = math.absf %add3A_304 : vector<4x4096xf32>
    %lt3A_306 = arith.constant 1.000000e-30 : f32
    %lt3A_307 = vector.broadcast %lt3A_306 : f32 to vector<4x4096xf32>
    %lt3A_308 = arith.cmpf olt, %abs3A_305, %lt3A_307 : vector<4x4096xf32>
    %jit3A_309 = arith.constant 1.000000e-30 : f32
    %broadcast_in_dim3A_310 = vector.broadcast %jit3A_309 : f32 to vector<4x4096xf32>
    %select_n3A_311 = arith.select %lt3A_308, %broadcast_in_dim3A_310, %add3A_304 : vector<4x4096xi1>, vector<4x4096xf32>
    %div3A_312 = arith.divf %div3A_300, %select_n3A_277 : vector<4x4096xf32>
    %add3A_313 = arith.constant 1.000000e+00 : f32
    %add3A_314 = vector.broadcast %add3A_313 : f32 to vector<4x4096xf32>
    %add3A_315 = arith.addf %add3A_314, %div3A_312 : vector<4x4096xf32>
    %abs3A_316 = math.absf %add3A_315 : vector<4x4096xf32>
    %lt3A_317 = arith.constant 1.000000e-30 : f32
    %lt3A_318 = vector.broadcast %lt3A_317 : f32 to vector<4x4096xf32>
    %lt3A_319 = arith.cmpf olt, %abs3A_316, %lt3A_318 : vector<4x4096xf32>
    %jit3A_320 = arith.constant 1.000000e-30 : f32
    %broadcast_in_dim3A_321 = vector.broadcast %jit3A_320 : f32 to vector<4x4096xf32>
    %select_n3A_322 = arith.select %lt3A_319, %broadcast_in_dim3A_321, %add3A_315 : vector<4x4096xi1>, vector<4x4096xf32>
    %div3A_323 = arith.constant 1.000000e+00 : f32
    %div3A_324 = vector.broadcast %div3A_323 : f32 to vector<4x4096xf32>
    %div3A_325 = arith.divf %div3A_324, %select_n3A_311 : vector<4x4096xf32>
    %mul3A_326 = arith.mulf %mul3A_282, %div3A_325 : vector<4x4096xf32>
    %mul3A_327 = arith.mulf %mul3A_326, %select_n3A_322 : vector<4x4096xf32>
    %sub3A_328 = arith.constant 2.000000e+00 : f32
    %sub3A_329 = vector.broadcast %sub3A_328 : f32 to vector<4x4096xf32>
    %sub3A_330 = arith.subf %select_n3A_45, %sub3A_329 : vector<4x4096xf32>
    %mul3A_331 = arith.constant 2.000000e+00 : f32
    %mul3A_332 = vector.broadcast %mul3A_331 : f32 to vector<4x4096xf32>
    %mul3A_333 = arith.mulf %mul3A_332, %sub3A_330 : vector<4x4096xf32>
    %mul3A_334 = arith.mulf %mul3A_333, %min3A_52 : vector<4x4096xf32>
    %add3A_335 = arith.constant 4.000000e+00 : f32
    %add3A_336 = vector.broadcast %add3A_335 : f32 to vector<4x4096xf32>
    %add3A_337 = arith.addf %sub3A_225, %add3A_336 : vector<4x4096xf32>
    %add3A_338 = arith.constant 4.000000e+00 : f32
    %add3A_339 = vector.broadcast %add3A_338 : f32 to vector<4x4096xf32>
    %add3A_340 = arith.addf %select_n3A, %add3A_339 : vector<4x4096xf32>
    %mul3A_341 = arith.mulf %add3A_337, %add3A_340 : vector<4x4096xf32>
    %div3A_342 = arith.divf %mul3A_334, %mul3A_341 : vector<4x4096xf32>
    %mul3A_343 = arith.mulf %div3A_342, %div3A_325 : vector<4x4096xf32>
    %add3A_344 = arith.constant 1.000000e+00 : f32
    %add3A_345 = vector.broadcast %add3A_344 : f32 to vector<4x4096xf32>
    %add3A_346 = arith.addf %add3A_345, %mul3A_343 : vector<4x4096xf32>
    %abs3A_347 = math.absf %add3A_346 : vector<4x4096xf32>
    %lt3A_348 = arith.constant 1.000000e-30 : f32
    %lt3A_349 = vector.broadcast %lt3A_348 : f32 to vector<4x4096xf32>
    %lt3A_350 = arith.cmpf olt, %abs3A_347, %lt3A_349 : vector<4x4096xf32>
    %jit3A_351 = arith.constant 1.000000e-30 : f32
    %broadcast_in_dim3A_352 = vector.broadcast %jit3A_351 : f32 to vector<4x4096xf32>
    %select_n3A_353 = arith.select %lt3A_350, %broadcast_in_dim3A_352, %add3A_346 : vector<4x4096xi1>, vector<4x4096xf32>
    %div3A_354 = arith.divf %div3A_342, %select_n3A_322 : vector<4x4096xf32>
    %add3A_355 = arith.constant 1.000000e+00 : f32
    %add3A_356 = vector.broadcast %add3A_355 : f32 to vector<4x4096xf32>
    %add3A_357 = arith.addf %add3A_356, %div3A_354 : vector<4x4096xf32>
    %abs3A_358 = math.absf %add3A_357 : vector<4x4096xf32>
    %lt3A_359 = arith.constant 1.000000e-30 : f32
    %lt3A_360 = vector.broadcast %lt3A_359 : f32 to vector<4x4096xf32>
    %lt3A_361 = arith.cmpf olt, %abs3A_358, %lt3A_360 : vector<4x4096xf32>
    %jit3A_362 = arith.constant 1.000000e-30 : f32
    %broadcast_in_dim3A_363 = vector.broadcast %jit3A_362 : f32 to vector<4x4096xf32>
    %select_n3A_364 = arith.select %lt3A_361, %broadcast_in_dim3A_363, %add3A_357 : vector<4x4096xi1>, vector<4x4096xf32>
    %div3A_365 = arith.constant 1.000000e+00 : f32
    %div3A_366 = vector.broadcast %div3A_365 : f32 to vector<4x4096xf32>
    %div3A_367 = arith.divf %div3A_366, %select_n3A_353 : vector<4x4096xf32>
    %mul3A_368 = arith.mulf %mul3A_327, %div3A_367 : vector<4x4096xf32>
    %mul3A_369 = arith.mulf %mul3A_368, %select_n3A_364 : vector<4x4096xf32>
    %add3A_370 = arith.constant 2.000000e+00 : f32
    %add3A_371 = vector.broadcast %add3A_370 : f32 to vector<4x4096xf32>
    %add3A_372 = arith.addf %select_n3A, %add3A_371 : vector<4x4096xf32>
    %neg3A_373 = arith.constant 0.000000e+00 : f32
    %neg3A_374 = vector.broadcast %neg3A_373 : f32 to vector<4x4096xf32>
    %neg3A_375 = arith.subf %neg3A_374, %add3A_372 : vector<4x4096xf32>
    %add3A_376 = arith.constant 2.000000e+00 : f32
    %add3A_377 = vector.broadcast %add3A_376 : f32 to vector<4x4096xf32>
    %add3A_378 = arith.addf %add3A_219, %add3A_377 : vector<4x4096xf32>
    %mul3A_379 = arith.mulf %neg3A_375, %add3A_378 : vector<4x4096xf32>
    %mul3A_380 = arith.mulf %mul3A_379, %min3A_52 : vector<4x4096xf32>
    %add3A_381 = arith.constant 4.000000e+00 : f32
    %add3A_382 = vector.broadcast %add3A_381 : f32 to vector<4x4096xf32>
    %add3A_383 = arith.addf %select_n3A, %add3A_382 : vector<4x4096xf32>
    %add3A_384 = arith.constant 4.000000e+00 : f32
    %add3A_385 = vector.broadcast %add3A_384 : f32 to vector<4x4096xf32>
    %add3A_386 = arith.addf %add3A_222, %add3A_385 : vector<4x4096xf32>
    %mul3A_387 = arith.mulf %add3A_383, %add3A_386 : vector<4x4096xf32>
    %div3A_388 = arith.divf %mul3A_380, %mul3A_387 : vector<4x4096xf32>
    %mul3A_389 = arith.mulf %div3A_388, %div3A_367 : vector<4x4096xf32>
    %add3A_390 = arith.constant 1.000000e+00 : f32
    %add3A_391 = vector.broadcast %add3A_390 : f32 to vector<4x4096xf32>
    %add3A_392 = arith.addf %add3A_391, %mul3A_389 : vector<4x4096xf32>
    %abs3A_393 = math.absf %add3A_392 : vector<4x4096xf32>
    %lt3A_394 = arith.constant 1.000000e-30 : f32
    %lt3A_395 = vector.broadcast %lt3A_394 : f32 to vector<4x4096xf32>
    %lt3A_396 = arith.cmpf olt, %abs3A_393, %lt3A_395 : vector<4x4096xf32>
    %jit3A_397 = arith.constant 1.000000e-30 : f32
    %broadcast_in_dim3A_398 = vector.broadcast %jit3A_397 : f32 to vector<4x4096xf32>
    %select_n3A_399 = arith.select %lt3A_396, %broadcast_in_dim3A_398, %add3A_392 : vector<4x4096xi1>, vector<4x4096xf32>
    %div3A_400 = arith.divf %div3A_388, %select_n3A_364 : vector<4x4096xf32>
    %add3A_401 = arith.constant 1.000000e+00 : f32
    %add3A_402 = vector.broadcast %add3A_401 : f32 to vector<4x4096xf32>
    %add3A_403 = arith.addf %add3A_402, %div3A_400 : vector<4x4096xf32>
    %abs3A_404 = math.absf %add3A_403 : vector<4x4096xf32>
    %lt3A_405 = arith.constant 1.000000e-30 : f32
    %lt3A_406 = vector.broadcast %lt3A_405 : f32 to vector<4x4096xf32>
    %lt3A_407 = arith.cmpf olt, %abs3A_404, %lt3A_406 : vector<4x4096xf32>
    %jit3A_408 = arith.constant 1.000000e-30 : f32
    %broadcast_in_dim3A_409 = vector.broadcast %jit3A_408 : f32 to vector<4x4096xf32>
    %select_n3A_410 = arith.select %lt3A_407, %broadcast_in_dim3A_409, %add3A_403 : vector<4x4096xi1>, vector<4x4096xf32>
    %div3A_411 = arith.constant 1.000000e+00 : f32
    %div3A_412 = vector.broadcast %div3A_411 : f32 to vector<4x4096xf32>
    %div3A_413 = arith.divf %div3A_412, %select_n3A_399 : vector<4x4096xf32>
    %mul3A_414 = arith.mulf %mul3A_369, %div3A_413 : vector<4x4096xf32>
    %mul3A_415 = arith.mulf %mul3A_414, %select_n3A_410 : vector<4x4096xf32>
    %sub3A_416 = arith.constant 3.000000e+00 : f32
    %sub3A_417 = vector.broadcast %sub3A_416 : f32 to vector<4x4096xf32>
    %sub3A_418 = arith.subf %select_n3A_45, %sub3A_417 : vector<4x4096xf32>
    %mul3A_419 = arith.constant 3.000000e+00 : f32
    %mul3A_420 = vector.broadcast %mul3A_419 : f32 to vector<4x4096xf32>
    %mul3A_421 = arith.mulf %mul3A_420, %sub3A_418 : vector<4x4096xf32>
    %mul3A_422 = arith.mulf %mul3A_421, %min3A_52 : vector<4x4096xf32>
    %add3A_423 = arith.constant 6.000000e+00 : f32
    %add3A_424 = vector.broadcast %add3A_423 : f32 to vector<4x4096xf32>
    %add3A_425 = arith.addf %sub3A_225, %add3A_424 : vector<4x4096xf32>
    %add3A_426 = arith.constant 6.000000e+00 : f32
    %add3A_427 = vector.broadcast %add3A_426 : f32 to vector<4x4096xf32>
    %add3A_428 = arith.addf %select_n3A, %add3A_427 : vector<4x4096xf32>
    %mul3A_429 = arith.mulf %add3A_425, %add3A_428 : vector<4x4096xf32>
    %div3A_430 = arith.divf %mul3A_422, %mul3A_429 : vector<4x4096xf32>
    %mul3A_431 = arith.mulf %div3A_430, %div3A_413 : vector<4x4096xf32>
    %add3A_432 = arith.constant 1.000000e+00 : f32
    %add3A_433 = vector.broadcast %add3A_432 : f32 to vector<4x4096xf32>
    %add3A_434 = arith.addf %add3A_433, %mul3A_431 : vector<4x4096xf32>
    %abs3A_435 = math.absf %add3A_434 : vector<4x4096xf32>
    %lt3A_436 = arith.constant 1.000000e-30 : f32
    %lt3A_437 = vector.broadcast %lt3A_436 : f32 to vector<4x4096xf32>
    %lt3A_438 = arith.cmpf olt, %abs3A_435, %lt3A_437 : vector<4x4096xf32>
    %jit3A_439 = arith.constant 1.000000e-30 : f32
    %broadcast_in_dim3A_440 = vector.broadcast %jit3A_439 : f32 to vector<4x4096xf32>
    %select_n3A_441 = arith.select %lt3A_438, %broadcast_in_dim3A_440, %add3A_434 : vector<4x4096xi1>, vector<4x4096xf32>
    %div3A_442 = arith.divf %div3A_430, %select_n3A_410 : vector<4x4096xf32>
    %add3A_443 = arith.constant 1.000000e+00 : f32
    %add3A_444 = vector.broadcast %add3A_443 : f32 to vector<4x4096xf32>
    %add3A_445 = arith.addf %add3A_444, %div3A_442 : vector<4x4096xf32>
    %abs3A_446 = math.absf %add3A_445 : vector<4x4096xf32>
    %lt3A_447 = arith.constant 1.000000e-30 : f32
    %lt3A_448 = vector.broadcast %lt3A_447 : f32 to vector<4x4096xf32>
    %lt3A_449 = arith.cmpf olt, %abs3A_446, %lt3A_448 : vector<4x4096xf32>
    %jit3A_450 = arith.constant 1.000000e-30 : f32
    %broadcast_in_dim3A_451 = vector.broadcast %jit3A_450 : f32 to vector<4x4096xf32>
    %select_n3A_452 = arith.select %lt3A_449, %broadcast_in_dim3A_451, %add3A_445 : vector<4x4096xi1>, vector<4x4096xf32>
    %div3A_453 = arith.constant 1.000000e+00 : f32
    %div3A_454 = vector.broadcast %div3A_453 : f32 to vector<4x4096xf32>
    %div3A_455 = arith.divf %div3A_454, %select_n3A_441 : vector<4x4096xf32>
    %mul3A_456 = arith.mulf %mul3A_415, %div3A_455 : vector<4x4096xf32>
    %mul3A_457 = arith.mulf %mul3A_456, %select_n3A_452 : vector<4x4096xf32>
    %add3A_458 = arith.constant 3.000000e+00 : f32
    %add3A_459 = vector.broadcast %add3A_458 : f32 to vector<4x4096xf32>
    %add3A_460 = arith.addf %select_n3A, %add3A_459 : vector<4x4096xf32>
    %neg3A_461 = arith.constant 0.000000e+00 : f32
    %neg3A_462 = vector.broadcast %neg3A_461 : f32 to vector<4x4096xf32>
    %neg3A_463 = arith.subf %neg3A_462, %add3A_460 : vector<4x4096xf32>
    %add3A_464 = arith.constant 3.000000e+00 : f32
    %add3A_465 = vector.broadcast %add3A_464 : f32 to vector<4x4096xf32>
    %add3A_466 = arith.addf %add3A_219, %add3A_465 : vector<4x4096xf32>
    %mul3A_467 = arith.mulf %neg3A_463, %add3A_466 : vector<4x4096xf32>
    %mul3A_468 = arith.mulf %mul3A_467, %min3A_52 : vector<4x4096xf32>
    %add3A_469 = arith.constant 6.000000e+00 : f32
    %add3A_470 = vector.broadcast %add3A_469 : f32 to vector<4x4096xf32>
    %add3A_471 = arith.addf %select_n3A, %add3A_470 : vector<4x4096xf32>
    %add3A_472 = arith.constant 6.000000e+00 : f32
    %add3A_473 = vector.broadcast %add3A_472 : f32 to vector<4x4096xf32>
    %add3A_474 = arith.addf %add3A_222, %add3A_473 : vector<4x4096xf32>
    %mul3A_475 = arith.mulf %add3A_471, %add3A_474 : vector<4x4096xf32>
    %div3A_476 = arith.divf %mul3A_468, %mul3A_475 : vector<4x4096xf32>
    %mul3A_477 = arith.mulf %div3A_476, %div3A_455 : vector<4x4096xf32>
    %add3A_478 = arith.constant 1.000000e+00 : f32
    %add3A_479 = vector.broadcast %add3A_478 : f32 to vector<4x4096xf32>
    %add3A_480 = arith.addf %add3A_479, %mul3A_477 : vector<4x4096xf32>
    %abs3A_481 = math.absf %add3A_480 : vector<4x4096xf32>
    %lt3A_482 = arith.constant 1.000000e-30 : f32
    %lt3A_483 = vector.broadcast %lt3A_482 : f32 to vector<4x4096xf32>
    %lt3A_484 = arith.cmpf olt, %abs3A_481, %lt3A_483 : vector<4x4096xf32>
    %jit3A_485 = arith.constant 1.000000e-30 : f32
    %broadcast_in_dim3A_486 = vector.broadcast %jit3A_485 : f32 to vector<4x4096xf32>
    %select_n3A_487 = arith.select %lt3A_484, %broadcast_in_dim3A_486, %add3A_480 : vector<4x4096xi1>, vector<4x4096xf32>
    %div3A_488 = arith.divf %div3A_476, %select_n3A_452 : vector<4x4096xf32>
    %add3A_489 = arith.constant 1.000000e+00 : f32
    %add3A_490 = vector.broadcast %add3A_489 : f32 to vector<4x4096xf32>
    %add3A_491 = arith.addf %add3A_490, %div3A_488 : vector<4x4096xf32>
    %abs3A_492 = math.absf %add3A_491 : vector<4x4096xf32>
    %lt3A_493 = arith.constant 1.000000e-30 : f32
    %lt3A_494 = vector.broadcast %lt3A_493 : f32 to vector<4x4096xf32>
    %lt3A_495 = arith.cmpf olt, %abs3A_492, %lt3A_494 : vector<4x4096xf32>
    %jit3A_496 = arith.constant 1.000000e-30 : f32
    %broadcast_in_dim3A_497 = vector.broadcast %jit3A_496 : f32 to vector<4x4096xf32>
    %select_n3A_498 = arith.select %lt3A_495, %broadcast_in_dim3A_497, %add3A_491 : vector<4x4096xi1>, vector<4x4096xf32>
    %div3A_499 = arith.constant 1.000000e+00 : f32
    %div3A_500 = vector.broadcast %div3A_499 : f32 to vector<4x4096xf32>
    %div3A_501 = arith.divf %div3A_500, %select_n3A_487 : vector<4x4096xf32>
    %mul3A_502 = arith.mulf %mul3A_457, %div3A_501 : vector<4x4096xf32>
    %mul3A_503 = arith.mulf %mul3A_502, %select_n3A_498 : vector<4x4096xf32>
    %sub3A_504 = arith.constant 4.000000e+00 : f32
    %sub3A_505 = vector.broadcast %sub3A_504 : f32 to vector<4x4096xf32>
    %sub3A_506 = arith.subf %select_n3A_45, %sub3A_505 : vector<4x4096xf32>
    %mul3A_507 = arith.constant 4.000000e+00 : f32
    %mul3A_508 = vector.broadcast %mul3A_507 : f32 to vector<4x4096xf32>
    %mul3A_509 = arith.mulf %mul3A_508, %sub3A_506 : vector<4x4096xf32>
    %mul3A_510 = arith.mulf %mul3A_509, %min3A_52 : vector<4x4096xf32>
    %add3A_511 = arith.constant 8.000000e+00 : f32
    %add3A_512 = vector.broadcast %add3A_511 : f32 to vector<4x4096xf32>
    %add3A_513 = arith.addf %sub3A_225, %add3A_512 : vector<4x4096xf32>
    %add3A_514 = arith.constant 8.000000e+00 : f32
    %add3A_515 = vector.broadcast %add3A_514 : f32 to vector<4x4096xf32>
    %add3A_516 = arith.addf %select_n3A, %add3A_515 : vector<4x4096xf32>
    %mul3A_517 = arith.mulf %add3A_513, %add3A_516 : vector<4x4096xf32>
    %div3A_518 = arith.divf %mul3A_510, %mul3A_517 : vector<4x4096xf32>
    %mul3A_519 = arith.mulf %div3A_518, %div3A_501 : vector<4x4096xf32>
    %add3A_520 = arith.constant 1.000000e+00 : f32
    %add3A_521 = vector.broadcast %add3A_520 : f32 to vector<4x4096xf32>
    %add3A_522 = arith.addf %add3A_521, %mul3A_519 : vector<4x4096xf32>
    %abs3A_523 = math.absf %add3A_522 : vector<4x4096xf32>
    %lt3A_524 = arith.constant 1.000000e-30 : f32
    %lt3A_525 = vector.broadcast %lt3A_524 : f32 to vector<4x4096xf32>
    %lt3A_526 = arith.cmpf olt, %abs3A_523, %lt3A_525 : vector<4x4096xf32>
    %jit3A_527 = arith.constant 1.000000e-30 : f32
    %broadcast_in_dim3A_528 = vector.broadcast %jit3A_527 : f32 to vector<4x4096xf32>
    %select_n3A_529 = arith.select %lt3A_526, %broadcast_in_dim3A_528, %add3A_522 : vector<4x4096xi1>, vector<4x4096xf32>
    %div3A_530 = arith.divf %div3A_518, %select_n3A_498 : vector<4x4096xf32>
    %add3A_531 = arith.constant 1.000000e+00 : f32
    %add3A_532 = vector.broadcast %add3A_531 : f32 to vector<4x4096xf32>
    %add3A_533 = arith.addf %add3A_532, %div3A_530 : vector<4x4096xf32>
    %abs3A_534 = math.absf %add3A_533 : vector<4x4096xf32>
    %lt3A_535 = arith.constant 1.000000e-30 : f32
    %lt3A_536 = vector.broadcast %lt3A_535 : f32 to vector<4x4096xf32>
    %lt3A_537 = arith.cmpf olt, %abs3A_534, %lt3A_536 : vector<4x4096xf32>
    %jit3A_538 = arith.constant 1.000000e-30 : f32
    %broadcast_in_dim3A_539 = vector.broadcast %jit3A_538 : f32 to vector<4x4096xf32>
    %select_n3A_540 = arith.select %lt3A_537, %broadcast_in_dim3A_539, %add3A_533 : vector<4x4096xi1>, vector<4x4096xf32>
    %div3A_541 = arith.constant 1.000000e+00 : f32
    %div3A_542 = vector.broadcast %div3A_541 : f32 to vector<4x4096xf32>
    %div3A_543 = arith.divf %div3A_542, %select_n3A_529 : vector<4x4096xf32>
    %mul3A_544 = arith.mulf %mul3A_503, %div3A_543 : vector<4x4096xf32>
    %mul3A_545 = arith.mulf %mul3A_544, %select_n3A_540 : vector<4x4096xf32>
    %add3A_546 = arith.constant 4.000000e+00 : f32
    %add3A_547 = vector.broadcast %add3A_546 : f32 to vector<4x4096xf32>
    %add3A_548 = arith.addf %select_n3A, %add3A_547 : vector<4x4096xf32>
    %neg3A_549 = arith.constant 0.000000e+00 : f32
    %neg3A_550 = vector.broadcast %neg3A_549 : f32 to vector<4x4096xf32>
    %neg3A_551 = arith.subf %neg3A_550, %add3A_548 : vector<4x4096xf32>
    %add3A_552 = arith.constant 4.000000e+00 : f32
    %add3A_553 = vector.broadcast %add3A_552 : f32 to vector<4x4096xf32>
    %add3A_554 = arith.addf %add3A_219, %add3A_553 : vector<4x4096xf32>
    %mul3A_555 = arith.mulf %neg3A_551, %add3A_554 : vector<4x4096xf32>
    %mul3A_556 = arith.mulf %mul3A_555, %min3A_52 : vector<4x4096xf32>
    %add3A_557 = arith.constant 8.000000e+00 : f32
    %add3A_558 = vector.broadcast %add3A_557 : f32 to vector<4x4096xf32>
    %add3A_559 = arith.addf %select_n3A, %add3A_558 : vector<4x4096xf32>
    %add3A_560 = arith.constant 8.000000e+00 : f32
    %add3A_561 = vector.broadcast %add3A_560 : f32 to vector<4x4096xf32>
    %add3A_562 = arith.addf %add3A_222, %add3A_561 : vector<4x4096xf32>
    %mul3A_563 = arith.mulf %add3A_559, %add3A_562 : vector<4x4096xf32>
    %div3A_564 = arith.divf %mul3A_556, %mul3A_563 : vector<4x4096xf32>
    %mul3A_565 = arith.mulf %div3A_564, %div3A_543 : vector<4x4096xf32>
    %add3A_566 = arith.constant 1.000000e+00 : f32
    %add3A_567 = vector.broadcast %add3A_566 : f32 to vector<4x4096xf32>
    %add3A_568 = arith.addf %add3A_567, %mul3A_565 : vector<4x4096xf32>
    %abs3A_569 = math.absf %add3A_568 : vector<4x4096xf32>
    %lt3A_570 = arith.constant 1.000000e-30 : f32
    %lt3A_571 = vector.broadcast %lt3A_570 : f32 to vector<4x4096xf32>
    %lt3A_572 = arith.cmpf olt, %abs3A_569, %lt3A_571 : vector<4x4096xf32>
    %jit3A_573 = arith.constant 1.000000e-30 : f32
    %broadcast_in_dim3A_574 = vector.broadcast %jit3A_573 : f32 to vector<4x4096xf32>
    %select_n3A_575 = arith.select %lt3A_572, %broadcast_in_dim3A_574, %add3A_568 : vector<4x4096xi1>, vector<4x4096xf32>
    %div3A_576 = arith.divf %div3A_564, %select_n3A_540 : vector<4x4096xf32>
    %add3A_577 = arith.constant 1.000000e+00 : f32
    %add3A_578 = vector.broadcast %add3A_577 : f32 to vector<4x4096xf32>
    %add3A_579 = arith.addf %add3A_578, %div3A_576 : vector<4x4096xf32>
    %abs3A_580 = math.absf %add3A_579 : vector<4x4096xf32>
    %lt3A_581 = arith.constant 1.000000e-30 : f32
    %lt3A_582 = vector.broadcast %lt3A_581 : f32 to vector<4x4096xf32>
    %lt3A_583 = arith.cmpf olt, %abs3A_580, %lt3A_582 : vector<4x4096xf32>
    %jit3A_584 = arith.constant 1.000000e-30 : f32
    %broadcast_in_dim3A_585 = vector.broadcast %jit3A_584 : f32 to vector<4x4096xf32>
    %select_n3A_586 = arith.select %lt3A_583, %broadcast_in_dim3A_585, %add3A_579 : vector<4x4096xi1>, vector<4x4096xf32>
    %div3A_587 = arith.constant 1.000000e+00 : f32
    %div3A_588 = vector.broadcast %div3A_587 : f32 to vector<4x4096xf32>
    %div3A_589 = arith.divf %div3A_588, %select_n3A_575 : vector<4x4096xf32>
    %mul3A_590 = arith.mulf %mul3A_545, %div3A_589 : vector<4x4096xf32>
    %mul3A_591 = arith.mulf %mul3A_590, %select_n3A_586 : vector<4x4096xf32>
    %mul3A_592 = arith.mulf %div3A_218, %mul3A_591 : vector<4x4096xf32>
    %sub3A_593 = arith.constant 1.000000e+00 : f32
    %sub3A_594 = vector.broadcast %sub3A_593 : f32 to vector<4x4096xf32>
    %sub3A_595 = arith.subf %sub3A_594, %mul3A_592 : vector<4x4096xf32>
    %select_n3A_596 = arith.select %gt3A, %sub3A_595, %mul3A_592 : vector<4x4096xi1>, vector<4x4096xf32>
    %slice3A_597 = vector.extract_strided_slice %select_n3A_596 {offsets = [0, 0], sizes = [1, 4096], strides = [1, 1]} : vector<4x4096xf32> to vector<1x4096xf32>
    %slice3A_598 = vector.extract_strided_slice %select_n3A_596 {offsets = [1, 0], sizes = [1, 4096], strides = [1, 1]} : vector<4x4096xf32> to vector<1x4096xf32>
    %slice3A_599 = vector.extract_strided_slice %select_n3A_596 {offsets = [2, 0], sizes = [1, 4096], strides = [1, 1]} : vector<4x4096xf32> to vector<1x4096xf32>
    %slice3A_600 = vector.extract_strided_slice %select_n3A_596 {offsets = [3, 0], sizes = [1, 4096], strides = [1, 1]} : vector<4x4096xf32> to vector<1x4096xf32>
    %sub3A_601 = arith.subf %slice3A_598, %slice3A_597 : vector<1x4096xf32>
    %sub3A_602 = arith.subf %slice3A_599, %slice3A_598 : vector<1x4096xf32>
    %sub3A_603 = arith.subf %slice3A_600, %slice3A_599 : vector<1x4096xf32>
    %sub3A_604 = arith.subf %broadcast_in_dim3A_18, %slice3A_600 : vector<1x4096xf32>
    %concatenate3A_605 = tpu.concatenate %slice3A_597, %sub3A_601, %sub3A_602, %sub3A_603, %sub3A_604 in 0 : vector<1x4096xf32>, vector<1x4096xf32>, vector<1x4096xf32>, vector<1x4096xf32>, vector<1x4096xf32> -> vector<5x4096xf32>
    %swap3A_606 = arith.constant 0 : index
    %swap3A_607 = arith.constant 0 : index
    %swap3A_608 = vector.load %arg5[%swap3A_606, %swap3A_607] : memref<5x4096xf32, #tpu.memory_space<vmem>>, vector<5x4096xf32>
    tpu.vector_store %arg5[%swap3A_606, %swap3A_607], %concatenate3A_605 {strides = array<i32>} : memref<5x4096xf32, #tpu.memory_space<vmem>>, vector<5x4096xf32>,
    return
  }
  func.func @transform_0(%arg0: i32) -> (i32, i32) {
    %c0_i32 = arith.constant 0 : i32
    %c0_i32_0 = arith.constant 0 : i32
    return %c0_i32, %arg0 : i32, i32
  }
  func.func @transform_1(%arg0: i32) -> (i32, i32) {
    %c0_i32 = arith.constant 0 : i32
    %c0_i32_0 = arith.constant 0 : i32
    return %c0_i32, %arg0 : i32, i32
  }
  func.func @transform_2(%arg0: i32) -> (i32, i32) {
    %c0_i32 = arith.constant 0 : i32
    %c0_i32_0 = arith.constant 0 : i32
    return %c0_i32, %arg0 : i32, i32
  }
  func.func @transform_3(%arg0: i32) -> (i32, i32) {
    %c0_i32 = arith.constant 0 : i32
    %c0_i32_0 = arith.constant 0 : i32
    return %c0_i32, %arg0 : i32, i32
  }
  func.func @transform_4(%arg0: i32) -> (i32, i32) {
    %c0_i32 = arith.constant 0 : i32
    %c0_i32_0 = arith.constant 0 : i32
    return %c0_i32, %arg0 : i32, i32
  }
  func.func @transform_5(%arg0: i32) -> (i32, i32) {
    %c0_i32 = arith.constant 0 : i32
    %c0_i32_0 = arith.constant 0 : i32
    return %c0_i32, %arg0 : i32, i32
  }
}

</mosaic_0001>

<sc_bundles>
// kernel: kernel.10.cloned.1.call-start
scs
__scs_entry_jumppad:
0x0: {  	(pc) =	sbr.rel $0x88, $3  }
0x1: {  	(tag) =	ssettag $0x0;
	lr =	simm.s32 $0x1  }
0x2: {  	[smem:$0x3F9B] =	sst lr;
	_ =	strace $0xD0000000  }
0x3: {  	_ = 	snop  }
0x4: {  	_ = 	snop  }
0x5: {  	_ = 	snop  }
0x6: {  	_ = 	snop  }
0x7: {  	_ = 	snop  }
__scs_overlays_trampoline_lowered:
0x8: {  	[smem:$0x3FAA] =	sst s0  }
0x9: {  	[smem:$0x3FAB] =	sst s1  }
0xa: {  	[smem:$0x3FAC] =	sst s2  }
0xb: {  	[smem:$0x3FAD] =	sst s3  }
0xc: {  	[smem:$0x3FAE] =	sst s4  }
0xd: {  	[smem:$0x3FAF] =	sst s5  }
0xe: {  	[smem:$0x3FB0] =	sst s6  }
0xf: {  	[smem:$0x3FB1] =	sst s7  }
0x10: {  	[smem:$0x3FB2] =	sst s8  }
0x11: {  	[smem:$0x3FB3] =	sst s9;
	s0 =	simm.s32 @!p0 $0x0  }
0x12: {  	s1 =	sld [smem:$0x3F99];
	s0 =	simm.s32 @p0 $0x1  }
0x13: {  	[smem:$0x3FB4] =	sst s0;
	s0 =	simm.s32 @!p1 $0x0  }
0x14: {  	s2 =	sld [smem:$0x3F98];
	s0 =	simm.s32 @p1 $0x1  }
0x15: {  	[smem:$0x3FB5] =	sst s0;
	s0 =	simm.s32 @!p2 $0x0  }
0x16: {  	s3 =	sld [smem:$0x3FDB];
	s0 =	simm.s32 @p2 $0x1  }
0x17: {  	s4 =	simm.s32 $0x1BF5;
	[smem:$0x3FB7] =	sst s0  }
0x18: {  	s0 =	sld [smem:$0x3F9A];
	_ =	swait.ge [sflag:s4], $0x0  }
0x19: {  	s7 =	sld [smem:$0x3F9B]  }
0x1a: {  	s8 =	sadd.s32 $0xFFFFE003, lr  }
0x1b: {  	s9 =	sadd.s32 $0xFFFFFEF7, lr;
	s5 =	simm.s32 $0xFFFFFFFF;
	p2 =	slt.u32 s8, $0xFFFFF086  }
0x1c: {  	p1 =	slt.u32 s9, $0xF7A;
	s5 =	simm.s32 @!p2 $0x0  }
0x1d: {  	s5 =	simm.s32 @p1 $0x1;
	p0 =	seq.s32 s7, s2  }
0x1e: {  	s7 =	smul.u32 @!p0 $0xF7A, s2;
	p2 =	seq.s32 @!p0 s5, $0x0  }
0x1f: {  	s9 =	smul.u32 $0xF7A, s1;
	s8 =	simm.s32 @!p0 $0x1BF5;
	p2 =	por !p2, p0  }
0x20: {  	[sflag:s8] =	ssyncset.s32 @!p0 $0xFFFFF086;
	s6 =	sadd.s32 @!p0 s3, s7;
	s7 =	simm.s32 @!p0 $0x108  }
0x21: {  	s3 =	sadd.s32 s3, s9;
	s6 =	sadd.s32 @!p0 $0x88, s6;
	s7 =	simm.s32 @p2 $0x1082  }
0x22: {  	[simem:s7], [sflag:s8] =	dma.local @!p0 [hbm:s6], $0xF7A  }
0x23: {  	s9 =	sor.u32 $0xD0000000, s2;
	s6 =	simm.s32 $0x108;
	_ =	swait.ge @!p0 [sflag:s8], $0x0  }
0x24: {  	s3 =	sadd.s32 $0x88, s3;
	s6 =	simm.s32 @!p1 $0x1082;
	[sflag:s4] =	ssyncset.s32 $0xFFFFF086  }
0x25: {  	[simem:s6], [sflag:s4] =	dma.local [hbm:s3], $0xF7A  }
0x26: {  	[smem:$0x3F9B] =	sst s1;
	(tag) =	ssettag s2;
	_ =	strace s9  }
0x27: {  	s1 =	sld [smem:$0x3FAB]  }
0x28: {  	s2 =	sld [smem:$0x3FAC]  }
0x29: {  	s4 =	sld [smem:$0x3FAE]  }
0x2a: {  	p0 =	seq.s32 s5, $0x0;
	s5 =	sld [smem:$0x3FAF]  }
0x2b: {  	s6 =	sld [smem:$0x3FB0]  }
0x2c: {  	s7 =	sld [smem:$0x3FB1]  }
0x2d: {  	s3 =	simm.s32 $0x108;
	s8 =	sld [smem:$0x3FB2]  }
0x2e: {  	s3 =	simm.s32 @!p0 $0x1082;
	s9 =	sld [smem:$0x3FB3]  }
0x2f: {  	lr =	sadd.s32 s0, s3;
	s0 =	sld [smem:$0x3FAA]  }
0x30: {  	s3 =	sld [smem:$0x3FAD]  }
0x31: {  	[smem:$0x3FB6] =	sst s10  }
0x32: {  	s10 =	sld [smem:$0x3FB4];
	_ =	sdelay $0x3  }
0x33: {  	p0 =	seq.s32 s10, $0x1;
	s10 =	sld [smem:$0x3FB6];
	_ =	sdelay $0x3  }
0x34: {  	[smem:$0x3FB6] =	sst s10  }
0x35: {  	s10 =	sld [smem:$0x3FB5];
	_ =	sdelay $0x3  }
0x36: {  	p1 =	seq.s32 s10, $0x1;
	s10 =	sld [smem:$0x3FB6];
	_ =	sdelay $0x3  }
0x37: {  	[smem:$0x3FB6] =	sst s10  }
0x38: {  	s10 =	sld [smem:$0x3FB7]  }
0x39: {  	_ = 	snop;
	(pc) =	sbr.ind lr, $3  }
0x3a: {  	_ = 	snop  }
0x3b: {  	_ = 	snop  }
0x3c: {  	p2 =	seq.s32 s10, $0x1;
	s10 =	sld [smem:$0x3FB6]  }
0x3d: {  	_ =	shalt  }
0x3e: {  	_ =	shalt  }
0x3f: {  	_ =	shalt  }
0x40: {  	_ =	shalt  }
0x41: {  	_ =	shalt  }
0x42: {  	_ =	shalt  }
0x43: {  	_ =	shalt  }
0x44: {  	_ =	shalt  }
0x45: {  	_ =	shalt  }
0x46: {  	_ =	shalt  }
0x47: {  	_ =	shalt  }
0x48: {  	_ =	shalt  }
0x49: {  	_ =	shalt  }
0x4a: {  	_ =	shalt  }
0x4b: {  	_ =	shalt  }
0x4c: {  	_ =	shalt  }
0x4d: {  	_ =	shalt  }
0x4e: {  	_ =	shalt  }
0x4f: {  	_ =	shalt  }
0x50: {  	_ =	shalt  }
0x51: {  	_ =	shalt  }
0x52: {  	_ =	shalt  }
0x53: {  	_ =	shalt  }
0x54: {  	_ =	shalt  }
0x55: {  	_ =	shalt  }
0x56: {  	_ =	shalt  }
0x57: {  	_ =	shalt  }
0x58: {  	_ =	shalt  }
0x59: {  	_ =	shalt  }
0x5a: {  	_ =	shalt  }
0x5b: {  	_ =	shalt  }
0x5c: {  	_ =	shalt  }
0x5d: {  	_ =	shalt  }
0x5e: {  	_ =	shalt  }
0x5f: {  	_ =	shalt  }
0x60: {  	_ =	shalt  }
0x61: {  	_ =	shalt  }
0x62: {  	_ =	shalt  }
0x63: {  	_ =	shalt  }
0x64: {  	_ =	shalt  }
0x65: {  	_ =	shalt  }
0x66: {  	_ =	shalt  }
0x67: {  	_ =	shalt  }
0x68: {  	_ =	shalt  }
0x69: {  	_ =	shalt  }
0x6a: {  	_ =	shalt  }
0x6b: {  	_ =	shalt  }
0x6c: {  	_ =	shalt  }
0x6d: {  	_ =	shalt  }
0x6e: {  	_ =	shalt  }
0x6f: {  	_ =	shalt  }
0x70: {  	_ =	shalt  }
0x71: {  	_ =	shalt  }
0x72: {  	_ =	shalt  }
0x73: {  	_ =	shalt  }
0x74: {  	_ =	shalt  }
0x75: {  	_ =	shalt  }
0x76: {  	_ =	shalt  }
0x77: {  	_ =	shalt  }
0x78: {  	_ =	shalt  }
0x79: {  	_ =	shalt  }
0x7a: {  	_ =	shalt  }
0x7b: {  	_ =	shalt  }
0x7c: {  	_ =	shalt  }
0x7d: {  	_ =	shalt  }
0x7e: {  	_ =	shalt  }
0x7f: {  	_ =	shalt  }
0x80: {  	_ =	shalt  }
0x81: {  	_ =	shalt  }
0x82: {  	_ =	shalt  }
0x83: {  	_ =	shalt  }
0x84: {  	_ =	shalt  }
0x85: {  	_ =	shalt  }
0x86: {  	_ =	shalt  }
0x87: {  	_ =	shalt  }
.Lfunc_end0:
.L_simem_size_0:
called_computation.1_lowered:
.L_overlay_start_0:
0x88: {  	s2 =	sld [smem:$0x3FD9]  }
0x89: {  	s3 =	sld [smem:$0x3FFE];
	_ =	sdelay $0x1  }
0x8a: {  	s1 =	srdreg.scid  }
0x8b: {  	s0 =	sand.u32 $0x1, s1  }
0x8c: {  	s15 =	sshll.u32 s0, $0xA;
	s2 =	sadd.s32 s3, s2  }
0x8d: {  	s2 =	sadd.s32 s2, s15  }
0x8e: {  	[smem:$0x3FC2] =	sst s2  }
0x8f: {  	_ = 	snop  }
0x90: {  	s16 =	sld [smem:$0x3FD0];
	_ =	sdelay $0x2  }
0x91: {  	s4 =	simm.s32 $0xB;
	s5 =	simm.s32 $0x10;
	s2 =	sld [smem:$0x3FC8]  }
0x92: {  	[smem:s5], [sflag:s4] =	dma.local [hbm:s16], $0x1  }
0x93: {  	_ =	swait.eq [sflag:s4], $0x1  }
0x94: {  	[sflag:s4] =	ssyncset.done $0x0  }
0x95: {  	[sflag:s4] =	ssyncadd.s32 $0xFFFFFFFF  }
0x96: {  	s17 =	sld [smem:$0x11];
	(tm) =	ssettm $0x1  }
0x97: {  	s18 =	sld [smem:$0x3FFB];
	_ =	sdelay $0x3  }
0x98: {  	_ =	strace s18  }
0x99: {  	s3 =	sld [smem:$0x3FFC];
	_ =	sdelay $0x3  }
0x9a: {  	_ =	strace s3  }
0x9b: {  	s3 =	sld [smem:$0x3FFD];
	_ =	sdelay $0x3  }
0x9c: {  	_ =	strace s3  }
0x9d: {  	_ =	strace $0x8FFFFFFF  }
0x9e: {  	s19 =	sld [smem:$0x3FDB];
	_ =	sdelay $0x1  }
0x9f: {  	s20 =	simm.s32 $_scs_section_size  }
0xa0: {  	s6 =	simm.s32 $_size__tile_overlayer_lowered;
	s7 =	simm.s32 $_tile_overlayer_lowered  }
0xa1: {  	s8 =	simm.s32 $0x1BFF;
	s21 =	sshll.u32 s7, $0x1;
	s5 =	sadd.s32 s20, s19  }
0xa2: {  	s22 =	simm.s32 $0x0;
	s6 =	sshll.u32 s6, $0x1;
	s7 =	sadd.s32 s21, s5  }
0xa3: {  	[timem:s22], [sflag:s8] =	dma.local [hbm:s7], s6  }
0xa4: {  	_ =	swait.ge [sflag:s8], s6  }
0xa5: {  	s6 =	ssub.s32 $0x0, s6;
	[sflag:s8] =	ssyncset.done $0x0  }
0xa6: {  	[sflag:s8] =	ssyncadd.s32 s6;
	_ =	sdelay $0x1  }
0xa7: {  	s23 =	simm.s32 $0x1B8B  }
0xa8: {  	_ =	swait.ge [sflag:s23], $0x1  }
0xa9: {  	[sflag:s23] =	ssyncset.done $0x0  }
0xaa: {  	[sflag:s23] =	ssyncadd.s32 $0xFFFFFFFF  }
0xab: {  	s6 =	sld [smem:$0x0]  }
0xac: {  	s7 =	sand.u32 $0xFFFFFFFE, s1  }
0xad: {  	p0 =	sne.s32 s1, s7  }
0xae: {  	s7 =	sshll.u32 @p0 s7, $0xE  }
0xaf: {  	s7 =	sadd.s32 @p0 $0x11B8D, s7;
	s8 =	sshll.u32 @p0 s6, $0x11  }
0xb0: {  	s7 =	sor.u32 @p0 s8, s7  }
0xb1: {  	[sflag:s7] =	ssyncadd.remote.s32 @p0 $0x1;
	_ =	sdelay $0x1  }
0xb2: {  	s7 =	simm.s32 @p0 $0x1B8D  }
0xb3: {  	_ =	swait.eq @p0 [sflag:s7], $0x1  }
0xb4: {  	[sflag:s7] =	ssyncadd.s32 @p0 $0xFFFFFFFF  }
0xb5: {  	s8 =	sshll.u32 @!p0 s1, $0xE  }
0xb6: {  	s8 =	sor.u32 @!p0 $0x4000, s8;
	s7 =	simm.s32 @!p0 $0x1B8D  }
0xb7: {  	s6 =	sshll.u32 @!p0 s6, $0x11;
	s8 =	sadd.s32 @!p0 $0x11B8D, s8;
	_ =	swait.eq @!p0 [sflag:s7], $0x1  }
0xb8: {  	s6 =	sor.u32 @!p0 s6, s8;
	[sflag:s7] =	ssyncadd.s32 @!p0 $0xFFFFFFFF  }
0xb9: {  	s25 =	simm.s32 $0x1B8E;
	s24 =	sld [smem:$0x3FFE];
	[sflag:s6] =	ssyncadd.remote.s32 @!p0 $0x1  }
0xba: {  	s26 =	simm.s32 $execute0_lowered;
	[smem:$0x3FD2] =	sst s25  }
0xbb: {  	s7 =	sshll.u32 s26, $0x1;
	_ =	strace $0x80000049;
	[dreg:$0x1] =	wrdreg $0xFFFFFFFF  }
0xbc: {  	s28 =	simm.s32 $_size_execute0_lowered;
	s5 =	sadd.s32 s5, s7;
	[dreg:$0x0] =	wrdreg $0x0  }
0xbd: {  	s7 =	sshll.u32 s28, $0x1;
	[dreg:$0x2] =	wrdreg s5  }
0xbe: {  	[dreg:$0x3] =	wrdreg s7  }
0xbf: {  	[dreg:$0x4] =	wrdreg $0xC0  }
0xc0: {  	_ =	task [dreg:s22], $0x5FFFF  }
0xc1: {  	[dreg:$0x1] =	wrdreg $0xFFFFFFFF  }
0xc2: {  	[dreg:$0x0] =	wrdreg $0x60  }
0xc3: {  	[dreg:$0x2] =	wrdreg s2  }
0xc4: {  	[dreg:$0x3] =	wrdreg s24  }
0xc5: {  	[dreg:$0x4] =	wrdreg s17  }
0xc6: {  	[dreg:$0x5] =	wrdreg $0xA  }
0xc7: {  	_ =	task.clear_ibuf [dreg:s22], $0x6FFFF;
	_ =	strace $0x90000049  }
0xc8: {  	s29 =	simm.s32 $0xA;
	_ =	strace $0x8000004B  }
0xc9: {  	_ =	swait.ge [sflag:s29], $0x1  }
0xca: {  	[sflag:s29] =	ssyncadd.s32 $0xFFFFFFFF  }
0xcb: {  	_ =	strace $0x9000004B  }
0xcc: {  	_ =	sfence  }
0xcd: {  	s30 =	sld [smem:$0x0];
	_ =	sdelay $0x2  }
0xce: {  	s31 =	sshll.u32 s1, $0xD;
	s1 =	sshrl.u32 s1, $0x2  }
0xcf: {  	s4 =	sand.u32 $0x4000, s31;
	s1 =	sadd.s32 s1, s30  }
0xd0: {  	s0 =	sor.u32 s4, s0;
	s1 =	sshll.u32 s1, $0x11  }
0xd1: {  	s0 =	sor.u32 s1, s0  }
0xd2: {  	s0 =	sadd.s32 $0x8F2B, s0  }
0xd3: {  	[sflag:s0] =	ssyncadd.remote.s32 $0x1  }
0xd4: {  	_ =	sfence.sel $0xFFFF  }
0xd5: {  	[dreg:$0x0] =	wrdreg $0xFFFFFFFF;
	(pc) =	sbr.abs _section_cstart, $3  }
0xd6: {  	[dreg:$0x1] =	wrdreg $0xFFFFFFFF  }
0xd7: {  	_ =	task.clear_ibuf [dreg:s22], $0x2FFFF;
	_ =	strace $0x9FFFFFFF  }
0xd8: {  	(tm) =	ssettm $0x7FFFFFFF  }
0xd9: {  	_ =	shalt  }
tec
execute0_lowered:
.L_overlay_start_1:
0x0: {  	(tag) =	ssettag $0x1  }
0x1: {  	s3 =	rddreg [dreg:$0x0]  }
0x2: {  	s13 =	rddreg [dreg:$0x1]  }
0x3: {  	s16 =	rddreg [dreg:$0x2];
	s2 =	srdreg.scid  }
0x4: {  	s0 =	rddreg [dreg:$0x3];
	s1 =	stileid.u32;
	s19 =	sand.u32 $0x1, s2  }
0x5: {  	s2 =	simm.s32 $0x0;
	s4 =	sshll.u32 s1, $0x7;
	s5 =	sshll.u32 s19, $0x6  }
0x6: {  	[smem:$0x7FF] =	sst s2;
	s17 =	sor.u32 s5, s4  }
0x7: {  	_ =	strace $0x8000004A;
	s4 =	sadd.s32 s3, s17;
	s3 =	simm.s32 $0x2  }
0x8: {  	[tilespmem:s2], [sflag:$0x2] =	stream.linear.gather [hbm4b:s4+s2], $0x200, $0x38;
	[tilespmem:$0xC00] =	vst v63  }
0x9: {  	_ =	swait.ge [sflag:s3], $0x200  }
0xa: {  	[sflag:s3] =	ssyncset.done $0x0  }
0xb: {  	s6 =	simm.s32 $0x200;
	s5 =	sadd.s32 $0x9B800, s13;
	[sflag:s3] =	ssyncadd.s32 $0xFFFFFE00  }
0xc: {  	[tilespmem:s6], [sflag:$0x1] =	stream.indirect.gather [hbm4b:s5+s6], $0x1, s2, s6, $0xb8;
	[tilespmem:$0xC00] =	vst v63  }
0xd: {  	s8 =	simm.s32 $0x400;
	s7 =	sadd.s32 $0xBA200, s13  }
0xe: {  	[tilespmem:s8], [sflag:$0x1] =	stream.indirect.gather [hbm4b:s7+s6], $0x1, s2, s6, $0xb8;
	[tilespmem:$0xC00] =	vst v63  }
0xf: {  	s10 =	simm.s32 $0x600;
	s9 =	sadd.s32 $0xD8C00, s13  }
0x10: {  	[tilespmem:s10], [sflag:$0x1] =	stream.indirect.gather [hbm4b:s9+s6], $0x1, s2, s6, $0xb8;
	[tilespmem:$0xC00] =	vst v63  }
0x11: {  	s12 =	simm.s32 $0x800;
	s11 =	sadd.s32 $0xF7600, s13  }
0x12: {  	[tilespmem:s12], [sflag:$0x1] =	stream.indirect.gather [hbm4b:s11+s6], $0x1, s2, s6, $0xb8;
	[tilespmem:$0xC00] =	vst v63  }
0x13: {  	s14 =	simm.s32 $0xA00;
	s15 =	simm.s32 $0x1;
	s13 =	sadd.s32 $0x116000, s13  }
0x14: {  	[tilespmem:s14], [sflag:$0x1] =	stream.indirect.gather [hbm4b:s13+s6], $0x1, s2, s6, $0xb8;
	[tilespmem:$0xC00] =	vst v63  }
0x15: {  	_ =	swait.ge [sflag:s15], $0x200  }
0x16: {  	[sflag:s15] =	ssyncset.done $0x0  }
0x17: {  	[sflag:s15] =	ssyncadd.s32 $0xFFFFFE00  }
0x18: {  	_ =	swait.ge [sflag:s15], $0x200  }
0x19: {  	[sflag:s15] =	ssyncset.done $0x0  }
0x1a: {  	[sflag:s15] =	ssyncadd.s32 $0xFFFFFE00  }
0x1b: {  	_ =	swait.ge [sflag:s15], $0x200  }
0x1c: {  	[sflag:s15] =	ssyncset.done $0x0  }
0x1d: {  	[sflag:s15] =	ssyncadd.s32 $0xFFFFFE00  }
0x1e: {  	_ =	swait.ge [sflag:s15], $0x200  }
0x1f: {  	[sflag:s15] =	ssyncset.done $0x0  }
0x20: {  	[sflag:s15] =	ssyncadd.s32 $0xFFFFFE00  }
0x21: {  	_ =	swait.ge [sflag:s15], $0x200  }
0x22: {  	[sflag:s15] =	ssyncset.done $0x0  }
0x23: {  	s16 =	sadd.s32 s16, s17;
	[sflag:s15] =	ssyncadd.s32 $0xFFFFFE00  }
0x24: {  	[hbm4b:s16+s2] =	stream.linear.scatter [tilespmem:s6], [sflag:$0x2], $0x200, $0x38;
	[tilespmem:$0xC00] =	vst v63  }
0x25: {  	_ =	swait.ge [sflag:s3], $0x200  }
0x26: {  	[sflag:s3] =	ssyncset.done $0x0  }
0x27: {  	s17 =	sadd.s32 $0x800, s16;
	[sflag:s3] =	ssyncadd.s32 $0xFFFFFE00  }
0x28: {  	[hbm4b:s17+s2] =	stream.linear.scatter [tilespmem:s8], [sflag:$0x2], $0x200, $0x38;
	[tilespmem:$0xC00] =	vst v63  }
0x29: {  	_ =	swait.ge [sflag:s3], $0x200  }
0x2a: {  	[sflag:s3] =	ssyncset.done $0x0  }
0x2b: {  	s20 =	ssub.s32 $0x2, s19;
	s18 =	sadd.s32 $0x1000, s16;
	[sflag:s3] =	ssyncadd.s32 $0xFFFFFE00  }
0x2c: {  	[hbm4b:s18+s2] =	stream.linear.scatter [tilespmem:s10], [sflag:$0x2], $0x200, $0x38;
	[tilespmem:$0xC00] =	vst v63  }
0x2d: {  	s21 =	sshrl.u32 s20, $0x1;
	_ =	swait.ge [sflag:s3], $0x200  }
0x2e: {  	s21 =	ssub.s32 s20, s21;
	[sflag:s3] =	ssyncset.done $0x0  }
0x2f: {  	s19 =	sadd.s32 $0x1800, s16;
	s21 =	smax.u32 s21, $0x1;
	[sflag:s3] =	ssyncadd.s32 $0xFFFFFE00  }
0x30: {  	[hbm4b:s19+s2] =	stream.linear.scatter [tilespmem:s12], [sflag:$0x2], $0x200, $0x38;
	[tilespmem:$0xC00] =	vst v63  }
0x31: {  	p0 =	sne.s32 s21, $0x1;
	_ =	swait.ge [sflag:s3], $0x200  }
.Ltmp0:
0x32: {  	[sflag:s3] =	ssyncset.done $0x0;
	(pc) =	sbr.rel @!p0 .LBB2_2-.Ltmp0, $4  }
0x33: {  	s20 =	sadd.s32 $0x2000, s16;
	[sflag:s3] =	ssyncadd.s32 $0xFFFFFE00  }
0x34: {  	[hbm4b:s20+s2] =	stream.linear.scatter [tilespmem:s14], [sflag:$0x2], $0x200, $0x38;
	[tilespmem:$0xC00] =	vst v63  }
0x35: {  	_ =	swait.ge [sflag:s3], $0x200  }
0x36: {  	s21 =	sadd.s32 $0xFFFFFFFF, s21;
	[sflag:s3] =	ssyncset.done $0x0  }
.LBB2_1:
0x37: {  	p0 =	sne.s32 s21, $0x1;
	s21 =	sadd.s32 $0xFFFFFFFF, s21;
	[sflag:s3] =	ssyncadd.s32 $0xFFFFFE00  }
0x38: {  	[tilespmem:s2], [sflag:$0x2] =	stream.linear.gather [hbm4b:s4+s2], $0x200, $0x38;
	[tilespmem:$0xC00] =	vst v63  }
0x39: {  	_ =	swait.ge [sflag:s3], $0x200  }
0x3a: {  	[sflag:s3] =	ssyncset.done $0x0  }
0x3b: {  	[sflag:s3] =	ssyncadd.s32 $0xFFFFFE00  }
0x3c: {  	[tilespmem:s6], [sflag:$0x1] =	stream.indirect.gather [hbm4b:s5+s6], $0x1, s2, s6, $0xb8;
	[tilespmem:$0xC00] =	vst v63  }
0x3d: {  	_ = 	snop  }
0x3e: {  	[tilespmem:s8], [sflag:$0x1] =	stream.indirect.gather [hbm4b:s7+s6], $0x1, s2, s6, $0xb8;
	[tilespmem:$0xC00] =	vst v63  }
0x3f: {  	_ = 	snop  }
0x40: {  	[tilespmem:s10], [sflag:$0x1] =	stream.indirect.gather [hbm4b:s9+s6], $0x1, s2, s6, $0xb8;
	[tilespmem:$0xC00] =	vst v63  }
0x41: {  	_ = 	snop  }
0x42: {  	[tilespmem:s12], [sflag:$0x1] =	stream.indirect.gather [hbm4b:s11+s6], $0x1, s2, s6, $0xb8;
	[tilespmem:$0xC00] =	vst v63  }
0x43: {  	_ = 	snop  }
0x44: {  	[tilespmem:s14], [sflag:$0x1] =	stream.indirect.gather [hbm4b:s13+s6], $0x1, s2, s6, $0xb8;
	[tilespmem:$0xC00] =	vst v63  }
0x45: {  	_ =	swait.ge [sflag:s15], $0x200  }
0x46: {  	[sflag:s15] =	ssyncset.done $0x0  }
0x47: {  	[sflag:s15] =	ssyncadd.s32 $0xFFFFFE00  }
0x48: {  	_ =	swait.ge [sflag:s15], $0x200  }
0x49: {  	[sflag:s15] =	ssyncset.done $0x0  }
0x4a: {  	[sflag:s15] =	ssyncadd.s32 $0xFFFFFE00  }
0x4b: {  	_ =	swait.ge [sflag:s15], $0x200  }
0x4c: {  	[sflag:s15] =	ssyncset.done $0x0  }
0x4d: {  	[sflag:s15] =	ssyncadd.s32 $0xFFFFFE00  }
0x4e: {  	_ =	swait.ge [sflag:s15], $0x200  }
0x4f: {  	[sflag:s15] =	ssyncset.done $0x0  }
0x50: {  	[sflag:s15] =	ssyncadd.s32 $0xFFFFFE00  }
0x51: {  	_ =	swait.ge [sflag:s15], $0x200  }
0x52: {  	[sflag:s15] =	ssyncset.done $0x0  }
0x53: {  	[sflag:s15] =	ssyncadd.s32 $0xFFFFFE00  }
0x54: {  	[hbm4b:s16+s2] =	stream.linear.scatter [tilespmem:s6], [sflag:$0x2], $0x200, $0x38;
	[tilespmem:$0xC00] =	vst v63  }
0x55: {  	_ =	swait.ge [sflag:s3], $0x200  }
0x56: {  	[sflag:s3] =	ssyncset.done $0x0  }
0x57: {  	[sflag:s3] =	ssyncadd.s32 $0xFFFFFE00  }
0x58: {  	[hbm4b:s17+s2] =	stream.linear.scatter [tilespmem:s8], [sflag:$0x2], $0x200, $0x38;
	[tilespmem:$0xC00] =	vst v63  }
0x59: {  	_ =	swait.ge [sflag:s3], $0x200  }
0x5a: {  	[sflag:s3] =	ssyncset.done $0x0  }
0x5b: {  	[sflag:s3] =	ssyncadd.s32 $0xFFFFFE00  }
0x5c: {  	[hbm4b:s18+s2] =	stream.linear.scatter [tilespmem:s10], [sflag:$0x2], $0x200, $0x38;
	[tilespmem:$0xC00] =	vst v63  }
0x5d: {  	_ =	swait.ge [sflag:s3], $0x200  }
0x5e: {  	[sflag:s3] =	ssyncset.done $0x0  }
0x5f: {  	[sflag:s3] =	ssyncadd.s32 $0xFFFFFE00  }
0x60: {  	[hbm4b:s19+s2] =	stream.linear.scatter [tilespmem:s12], [sflag:$0x2], $0x200, $0x38;
	[tilespmem:$0xC00] =	vst v63  }
0x61: {  	_ =	swait.ge [sflag:s3], $0x200  }
.Ltmp1:
0x62: {  	[sflag:s3] =	ssyncset.done $0x0;
	(pc) =	sbr.rel @p0 .LBB2_1-.Ltmp1, $4  }
0x63: {  	[sflag:s3] =	ssyncadd.s32 $0xFFFFFE00  }
0x64: {  	[hbm4b:s20+s2] =	stream.linear.scatter [tilespmem:s14], [sflag:$0x2], $0x200, $0x38;
	[tilespmem:$0xC00] =	vst v63  }
0x65: {  	_ =	swait.ge [sflag:s3], $0x200  }
0x66: {  	[sflag:s3] =	ssyncset.done $0x0  }
.LBB2_2:
0x67: {  	[sflag:s3] =	ssyncadd.s32 $0xFFFFFE00  }
0x68: {  	_ =	sfence.sel $0x180000  }
0x69: {  	[bflag:$0x0] =	sbarrier.arrive $0xFFFF  }
0x6a: {  	p0 =	sne.s32 s1, $0x0;
	_ =	strace $0x9000004A  }
0x6b: {  	s0 =	sadd.s32 @!p0 $0x100000, s0;
	[bflag:$0x2] =	sbarrier.arrive $0xFFFF  }
0x6c: {  	[sflag:s0] =	ssyncadd.tile.s32 @!p0 $0x1;
	_ =	shalt  }
.Lfunc_end2:
_tile_overlayer_lowered:
.L_overlay_start_2:
0x6d: {  	(tag) =	ssettag $0x2  }
0x6e: {  	s0 =	rddreg [dreg:$0x0];
	s2 =	stileid.u32  }
0x6f: {  	s1 =	rddreg [dreg:$0x1];
	p0 =	sne.s32 s2, $0x0  }
0x70: {  	s3 =	rddreg [dreg:$0x2];
	[bflag:$0x3] =	sbarrier.arrive $0xFFFF;
	s2 =	simm.s32 @!p0 $0x1C02  }
0x71: {  	[timem:s3], [sflag:s2] =	dma.local @!p0 [hbm:s0], s1  }
0x72: {  	s0 =	simm.s32 @!p0 $0x2  }
0x73: {  	_ =	swait.ge @!p0 [sflag:s0], s1  }
0x74: {  	s1 =	ssub.s32 @!p0 $0x0, s1;
	[sflag:s0] =	ssyncset.done @!p0 $0x0  }
0x75: {  	[sflag:s0] =	ssyncadd.s32 @!p0 s1  }
0x76: {  	[bflag:$0x3] =	sbarrier.arrive $0xFFFF  }
0x77: {  	_ =	shalt  }

// kernel: kernel.7.cloned.1.call-start
scs
__scs_entry_jumppad:
0x0: {  	(pc) =	sbr.rel $0x88, $3  }
0x1: {  	(tag) =	ssettag $0x0;
	lr =	simm.s32 $0x1  }
0x2: {  	[smem:$0x3F9B] =	sst lr;
	_ =	strace $0xD0000000  }
0x3: {  	_ = 	snop  }
0x4: {  	_ = 	snop  }
0x5: {  	_ = 	snop  }
0x6: {  	_ = 	snop  }
0x7: {  	_ = 	snop  }
__scs_overlays_trampoline_lowered:
0x8: {  	[smem:$0x3FAA] =	sst s0  }
0x9: {  	[smem:$0x3FAB] =	sst s1  }
0xa: {  	[smem:$0x3FAC] =	sst s2  }
0xb: {  	[smem:$0x3FAD] =	sst s3  }
0xc: {  	[smem:$0x3FAE] =	sst s4  }
0xd: {  	[smem:$0x3FAF] =	sst s5  }
0xe: {  	[smem:$0x3FB0] =	sst s6  }
0xf: {  	[smem:$0x3FB1] =	sst s7  }
0x10: {  	[smem:$0x3FB2] =	sst s8  }
0x11: {  	[smem:$0x3FB3] =	sst s9;
	s0 =	simm.s32 @!p0 $0x0  }
0x12: {  	s1 =	sld [smem:$0x3F99];
	s0 =	simm.s32 @p0 $0x1  }
0x13: {  	[smem:$0x3FB4] =	sst s0;
	s0 =	simm.s32 @!p1 $0x0  }
0x14: {  	s2 =	sld [smem:$0x3F98];
	s0 =	simm.s32 @p1 $0x1  }
0x15: {  	[smem:$0x3FB5] =	sst s0;
	s0 =	simm.s32 @!p2 $0x0  }
0x16: {  	s3 =	sld [smem:$0x3FDB];
	s0 =	simm.s32 @p2 $0x1  }
0x17: {  	s4 =	simm.s32 $0x1BF5;
	[smem:$0x3FB7] =	sst s0  }
0x18: {  	s0 =	sld [smem:$0x3F9A];
	_ =	swait.ge [sflag:s4], $0x0  }
0x19: {  	s7 =	sld [smem:$0x3F9B]  }
0x1a: {  	s8 =	sadd.s32 $0xFFFFE003, lr  }
0x1b: {  	s9 =	sadd.s32 $0xFFFFFEF7, lr;
	s5 =	simm.s32 $0xFFFFFFFF;
	p2 =	slt.u32 s8, $0xFFFFF086  }
0x1c: {  	p1 =	slt.u32 s9, $0xF7A;
	s5 =	simm.s32 @!p2 $0x0  }
0x1d: {  	s5 =	simm.s32 @p1 $0x1;
	p0 =	seq.s32 s7, s2  }
0x1e: {  	s7 =	smul.u32 @!p0 $0xF7A, s2;
	p2 =	seq.s32 @!p0 s5, $0x0  }
0x1f: {  	s9 =	smul.u32 $0xF7A, s1;
	s8 =	simm.s32 @!p0 $0x1BF5;
	p2 =	por !p2, p0  }
0x20: {  	[sflag:s8] =	ssyncset.s32 @!p0 $0xFFFFF086;
	s6 =	sadd.s32 @!p0 s3, s7;
	s7 =	simm.s32 @!p0 $0x108  }
0x21: {  	s3 =	sadd.s32 s3, s9;
	s6 =	sadd.s32 @!p0 $0x88, s6;
	s7 =	simm.s32 @p2 $0x1082  }
0x22: {  	[simem:s7], [sflag:s8] =	dma.local @!p0 [hbm:s6], $0xF7A  }
0x23: {  	s9 =	sor.u32 $0xD0000000, s2;
	s6 =	simm.s32 $0x108;
	_ =	swait.ge @!p0 [sflag:s8], $0x0  }
0x24: {  	s3 =	sadd.s32 $0x88, s3;
	s6 =	simm.s32 @!p1 $0x1082;
	[sflag:s4] =	ssyncset.s32 $0xFFFFF086  }
0x25: {  	[simem:s6], [sflag:s4] =	dma.local [hbm:s3], $0xF7A  }
0x26: {  	[smem:$0x3F9B] =	sst s1;
	(tag) =	ssettag s2;
	_ =	strace s9  }
0x27: {  	s1 =	sld [smem:$0x3FAB]  }
0x28: {  	s2 =	sld [smem:$0x3FAC]  }
0x29: {  	s4 =	sld [smem:$0x3FAE]  }
0x2a: {  	p0 =	seq.s32 s5, $0x0;
	s5 =	sld [smem:$0x3FAF]  }
0x2b: {  	s6 =	sld [smem:$0x3FB0]  }
0x2c: {  	s7 =	sld [smem:$0x3FB1]  }
0x2d: {  	s3 =	simm.s32 $0x108;
	s8 =	sld [smem:$0x3FB2]  }
0x2e: {  	s3 =	simm.s32 @!p0 $0x1082;
	s9 =	sld [smem:$0x3FB3]  }
0x2f: {  	lr =	sadd.s32 s0, s3;
	s0 =	sld [smem:$0x3FAA]  }
0x30: {  	s3 =	sld [smem:$0x3FAD]  }
0x31: {  	[smem:$0x3FB6] =	sst s10  }
0x32: {  	s10 =	sld [smem:$0x3FB4];
	_ =	sdelay $0x3  }
0x33: {  	p0 =	seq.s32 s10, $0x1;
	s10 =	sld [smem:$0x3FB6];
	_ =	sdelay $0x3  }
0x34: {  	[smem:$0x3FB6] =	sst s10  }
0x35: {  	s10 =	sld [smem:$0x3FB5];
	_ =	sdelay $0x3  }
0x36: {  	p1 =	seq.s32 s10, $0x1;
	s10 =	sld [smem:$0x3FB6];
	_ =	sdelay $0x3  }
0x37: {  	[smem:$0x3FB6] =	sst s10  }
0x38: {  	s10 =	sld [smem:$0x3FB7]  }
0x39: {  	_ = 	snop;
	(pc) =	sbr.ind lr, $3  }
0x3a: {  	_ = 	snop  }
0x3b: {  	_ = 	snop  }
0x3c: {  	p2 =	seq.s32 s10, $0x1;
	s10 =	sld [smem:$0x3FB6]  }
0x3d: {  	_ =	shalt  }
0x3e: {  	_ =	shalt  }
0x3f: {  	_ =	shalt  }
0x40: {  	_ =	shalt  }
0x41: {  	_ =	shalt  }
0x42: {  	_ =	shalt  }
0x43: {  	_ =	shalt  }
0x44: {  	_ =	shalt  }
0x45: {  	_ =	shalt  }
0x46: {  	_ =	shalt  }
0x47: {  	_ =	shalt  }
0x48: {  	_ =	shalt  }
0x49: {  	_ =	shalt  }
0x4a: {  	_ =	shalt  }
0x4b: {  	_ =	shalt  }
0x4c: {  	_ =	shalt  }
0x4d: {  	_ =	shalt  }
0x4e: {  	_ =	shalt  }
0x4f: {  	_ =	shalt  }
0x50: {  	_ =	shalt  }
0x51: {  	_ =	shalt  }
0x52: {  	_ =	shalt  }
0x53: {  	_ =	shalt  }
0x54: {  	_ =	shalt  }
0x55: {  	_ =	shalt  }
0x56: {  	_ =	shalt  }
0x57: {  	_ =	shalt  }
0x58: {  	_ =	shalt  }
0x59: {  	_ =	shalt  }
0x5a: {  	_ =	shalt  }
0x5b: {  	_ =	shalt  }
0x5c: {  	_ =	shalt  }
0x5d: {  	_ =	shalt  }
0x5e: {  	_ =	shalt  }
0x5f: {  	_ =	shalt  }
0x60: {  	_ =	shalt  }
0x61: {  	_ =	shalt  }
0x62: {  	_ =	shalt  }
0x63: {  	_ =	shalt  }
0x64: {  	_ =	shalt  }
0x65: {  	_ =	shalt  }
0x66: {  	_ =	shalt  }
0x67: {  	_ =	shalt  }
0x68: {  	_ =	shalt  }
0x69: {  	_ =	shalt  }
0x6a: {  	_ =	shalt  }
0x6b: {  	_ =	shalt  }
0x6c: {  	_ =	shalt  }
0x6d: {  	_ =	shalt  }
0x6e: {  	_ =	shalt  }
0x6f: {  	_ =	shalt  }
0x70: {  	_ =	shalt  }
0x71: {  	_ =	shalt  }
0x72: {  	_ =	shalt  }
0x73: {  	_ =	shalt  }
0x74: {  	_ =	shalt  }
0x75: {  	_ =	shalt  }
0x76: {  	_ =	shalt  }
0x77: {  	_ =	shalt  }
0x78: {  	_ =	shalt  }
0x79: {  	_ =	shalt  }
0x7a: {  	_ =	shalt  }
0x7b: {  	_ =	shalt  }
0x7c: {  	_ =	shalt  }
0x7d: {  	_ =	shalt  }
0x7e: {  	_ =	shalt  }
0x7f: {  	_ =	shalt  }
0x80: {  	_ =	shalt  }
0x81: {  	_ =	shalt  }
0x82: {  	_ =	shalt  }
0x83: {  	_ =	shalt  }
0x84: {  	_ =	shalt  }
0x85: {  	_ =	shalt  }
0x86: {  	_ =	shalt  }
0x87: {  	_ =	shalt  }
.Lfunc_end0:
.L_simem_size_0:
called_computation_lowered:
.L_overlay_start_0:
0x88: {  	s2 =	sld [smem:$0x3FD9]  }
0x89: {  	s3 =	sld [smem:$0x3FFE];
	_ =	sdelay $0x1  }
0x8a: {  	s1 =	srdreg.scid  }
0x8b: {  	s0 =	sand.u32 $0x1, s1  }
0x8c: {  	s14 =	sshll.u32 s0, $0xA;
	s2 =	sadd.s32 s3, s2  }
0x8d: {  	s2 =	sadd.s32 s2, s14  }
0x8e: {  	[smem:$0x3FC2] =	sst s2  }
0x8f: {  	_ = 	snop  }
0x90: {  	s2 =	sld [smem:$0x3FD0];
	_ =	sdelay $0x2  }
0x91: {  	s4 =	simm.s32 $0xB;
	s5 =	simm.s32 $0x10;
	s15 =	sld [smem:$0x3FC9]  }
0x92: {  	[smem:s5], [sflag:s4] =	dma.local [hbm:s2], $0x1  }
0x93: {  	_ =	swait.eq [sflag:s4], $0x1  }
0x94: {  	[sflag:s4] =	ssyncset.done $0x0  }
0x95: {  	[sflag:s4] =	ssyncadd.s32 $0xFFFFFFFF  }
0x96: {  	s16 =	sld [smem:$0x10];
	(tm) =	ssettm $0x1  }
0x97: {  	s17 =	sld [smem:$0x3FFB];
	_ =	sdelay $0x3  }
0x98: {  	_ =	strace s17  }
0x99: {  	s4 =	sld [smem:$0x3FFC];
	_ =	sdelay $0x3  }
0x9a: {  	_ =	strace s4  }
0x9b: {  	s4 =	sld [smem:$0x3FFD];
	_ =	sdelay $0x3  }
0x9c: {  	_ =	strace s4  }
0x9d: {  	_ =	strace $0x8FFFFFFF  }
0x9e: {  	s18 =	sld [smem:$0x3FDB];
	_ =	sdelay $0x1  }
0x9f: {  	s19 =	simm.s32 $_scs_section_size  }
0xa0: {  	s6 =	simm.s32 $_size__tile_overlayer_lowered;
	s7 =	simm.s32 $_tile_overlayer_lowered  }
0xa1: {  	s22 =	simm.s32 $0x1BFF;
	s21 =	sshll.u32 s7, $0x1;
	s4 =	sadd.s32 s19, s18  }
0xa2: {  	s8 =	simm.s32 $0x0;
	s20 =	sshll.u32 s6, $0x1;
	s6 =	sadd.s32 s21, s4  }
0xa3: {  	[timem:s8], [sflag:s22] =	dma.local [hbm:s6], s20  }
0xa4: {  	_ =	swait.ge [sflag:s22], s20  }
0xa5: {  	s5 =	ssub.s32 $0x0, s20;
	[sflag:s22] =	ssyncset.done $0x0  }
0xa6: {  	[sflag:s22] =	ssyncadd.s32 s5;
	_ =	sdelay $0x1  }
0xa7: {  	s23 =	simm.s32 $0x1B8B  }
0xa8: {  	_ =	swait.ge [sflag:s23], $0x1  }
0xa9: {  	[sflag:s23] =	ssyncset.done $0x0  }
0xaa: {  	s25 =	simm.s32 $0x1B8E;
	s24 =	sld [smem:$0x3FFE];
	[sflag:s23] =	ssyncadd.s32 $0xFFFFFFFF  }
0xab: {  	s26 =	simm.s32 $execute0_lowered;
	[smem:$0x3FD2] =	sst s25  }
0xac: {  	s6 =	sshll.u32 s26, $0x1;
	_ =	strace $0x80000046;
	[dreg:$0x1] =	wrdreg $0xFFFFFFFF  }
0xad: {  	s28 =	simm.s32 $_size_execute0_lowered;
	s4 =	sadd.s32 s4, s6;
	[dreg:$0x0] =	wrdreg $0x0  }
0xae: {  	s6 =	sshll.u32 s28, $0x1;
	[dreg:$0x2] =	wrdreg s4  }
0xaf: {  	[dreg:$0x3] =	wrdreg s6  }
0xb0: {  	[dreg:$0x4] =	wrdreg $0xC0  }
0xb1: {  	_ =	task [dreg:s8], $0x5FFFF  }
0xb2: {  	[dreg:$0x1] =	wrdreg $0xFFFFFFFF  }
0xb3: {  	[dreg:$0x0] =	wrdreg $0x60  }
0xb4: {  	[dreg:$0x2] =	wrdreg s15  }
0xb5: {  	[dreg:$0x3] =	wrdreg s24  }
0xb6: {  	[dreg:$0x4] =	wrdreg s16  }
0xb7: {  	[dreg:$0x5] =	wrdreg $0x9  }
0xb8: {  	_ =	task.clear_ibuf [dreg:s8], $0x6FFFF;
	_ =	strace $0x90000046  }
0xb9: {  	s29 =	simm.s32 $0x9;
	_ =	strace $0x80000048  }
0xba: {  	_ =	swait.ge [sflag:s29], $0x1  }
0xbb: {  	[sflag:s29] =	ssyncadd.s32 $0xFFFFFFFF  }
0xbc: {  	_ =	strace $0x90000048  }
0xbd: {  	_ =	sfence  }
0xbe: {  	s30 =	sld [smem:$0x0];
	_ =	sdelay $0x2  }
0xbf: {  	s31 =	sshll.u32 s1, $0xD;
	s1 =	sshrl.u32 s1, $0x2  }
0xc0: {  	s3 =	sand.u32 $0x4000, s31;
	s1 =	sadd.s32 s1, s30  }
0xc1: {  	s0 =	sor.u32 s3, s0;
	s1 =	sshll.u32 s1, $0x11  }
0xc2: {  	s0 =	sor.u32 s1, s0  }
0xc3: {  	s0 =	sadd.s32 $0x8F2B, s0  }
0xc4: {  	[sflag:s0] =	ssyncadd.remote.s32 $0x1  }
0xc5: {  	_ =	sfence.sel $0xFFFF  }
0xc6: {  	[dreg:$0x0] =	wrdreg $0xFFFFFFFF;
	(pc) =	sbr.abs _section_cstart, $3  }
0xc7: {  	[dreg:$0x1] =	wrdreg $0xFFFFFFFF  }
0xc8: {  	_ =	task.clear_ibuf [dreg:s8], $0x2FFFF;
	_ =	strace $0x9FFFFFFF  }
0xc9: {  	(tm) =	ssettm $0x7FFFFFFF  }
tec
execute0_lowered:
.L_overlay_start_1:
0x0: {  	(tag) =	ssettag $0x1  }
0x1: {  	s3 =	rddreg [dreg:$0x0]  }
0x2: {  	s13 =	rddreg [dreg:$0x1]  }
0x3: {  	s16 =	rddreg [dreg:$0x2];
	s2 =	srdreg.scid  }
0x4: {  	s0 =	rddreg [dreg:$0x3];
	s1 =	stileid.u32;
	s19 =	sand.u32 $0x1, s2  }
0x5: {  	s2 =	simm.s32 $0x0;
	s4 =	sshll.u32 s1, $0x7;
	s5 =	sshll.u32 s19, $0x6  }
0x6: {  	[smem:$0x7FF] =	sst s2;
	s17 =	sor.u32 s5, s4  }
0x7: {  	_ =	strace $0x80000047;
	s4 =	sadd.s32 s3, s17;
	s3 =	simm.s32 $0x2  }
0x8: {  	[tilespmem:s2], [sflag:$0x2] =	stream.linear.gather [hbm4b:s4+s2], $0x200, $0x38;
	[tilespmem:$0xC00] =	vst v63  }
0x9: {  	_ =	swait.ge [sflag:s3], $0x200  }
0xa: {  	[sflag:s3] =	ssyncset.done $0x0  }
0xb: {  	s6 =	simm.s32 $0x200;
	s5 =	sadd.s32 $0x2600, s13;
	[sflag:s3] =	ssyncadd.s32 $0xFFFFFE00  }
0xc: {  	[tilespmem:s6], [sflag:$0x1] =	stream.indirect.gather [hbm4b:s5+s6], $0x1, s2, s6, $0xb8;
	[tilespmem:$0xC00] =	vst v63  }
0xd: {  	s8 =	simm.s32 $0x400;
	s7 =	sadd.s32 $0x21000, s13  }
0xe: {  	[tilespmem:s8], [sflag:$0x1] =	stream.indirect.gather [hbm4b:s7+s6], $0x1, s2, s6, $0xb8;
	[tilespmem:$0xC00] =	vst v63  }
0xf: {  	s10 =	simm.s32 $0x600;
	s9 =	sadd.s32 $0x3FA00, s13  }
0x10: {  	[tilespmem:s10], [sflag:$0x1] =	stream.indirect.gather [hbm4b:s9+s6], $0x1, s2, s6, $0xb8;
	[tilespmem:$0xC00] =	vst v63  }
0x11: {  	s12 =	simm.s32 $0x800;
	s11 =	sadd.s32 $0x5E400, s13  }
0x12: {  	[tilespmem:s12], [sflag:$0x1] =	stream.indirect.gather [hbm4b:s11+s6], $0x1, s2, s6, $0xb8;
	[tilespmem:$0xC00] =	vst v63  }
0x13: {  	s14 =	simm.s32 $0xA00;
	s15 =	simm.s32 $0x1;
	s13 =	sadd.s32 $0x7CE00, s13  }
0x14: {  	[tilespmem:s14], [sflag:$0x1] =	stream.indirect.gather [hbm4b:s13+s6], $0x1, s2, s6, $0xb8;
	[tilespmem:$0xC00] =	vst v63  }
0x15: {  	_ =	swait.ge [sflag:s15], $0x200  }
0x16: {  	[sflag:s15] =	ssyncset.done $0x0  }
0x17: {  	[sflag:s15] =	ssyncadd.s32 $0xFFFFFE00  }
0x18: {  	_ =	swait.ge [sflag:s15], $0x200  }
0x19: {  	[sflag:s15] =	ssyncset.done $0x0  }
0x1a: {  	[sflag:s15] =	ssyncadd.s32 $0xFFFFFE00  }
0x1b: {  	_ =	swait.ge [sflag:s15], $0x200  }
0x1c: {  	[sflag:s15] =	ssyncset.done $0x0  }
0x1d: {  	[sflag:s15] =	ssyncadd.s32 $0xFFFFFE00  }
0x1e: {  	_ =	swait.ge [sflag:s15], $0x200  }
0x1f: {  	[sflag:s15] =	ssyncset.done $0x0  }
0x20: {  	[sflag:s15] =	ssyncadd.s32 $0xFFFFFE00  }
0x21: {  	_ =	swait.ge [sflag:s15], $0x200  }
0x22: {  	[sflag:s15] =	ssyncset.done $0x0  }
0x23: {  	s16 =	sadd.s32 s16, s17;
	[sflag:s15] =	ssyncadd.s32 $0xFFFFFE00  }
0x24: {  	[hbm4b:s16+s2] =	stream.linear.scatter [tilespmem:s6], [sflag:$0x2], $0x200, $0x38;
	[tilespmem:$0xC00] =	vst v63  }
0x25: {  	_ =	swait.ge [sflag:s3], $0x200  }
0x26: {  	[sflag:s3] =	ssyncset.done $0x0  }
0x27: {  	s17 =	sadd.s32 $0x800, s16;
	[sflag:s3] =	ssyncadd.s32 $0xFFFFFE00  }
0x28: {  	[hbm4b:s17+s2] =	stream.linear.scatter [tilespmem:s8], [sflag:$0x2], $0x200, $0x38;
	[tilespmem:$0xC00] =	vst v63  }
0x29: {  	_ =	swait.ge [sflag:s3], $0x200  }
0x2a: {  	[sflag:s3] =	ssyncset.done $0x0  }
0x2b: {  	s20 =	ssub.s32 $0x2, s19;
	s18 =	sadd.s32 $0x1000, s16;
	[sflag:s3] =	ssyncadd.s32 $0xFFFFFE00  }
0x2c: {  	[hbm4b:s18+s2] =	stream.linear.scatter [tilespmem:s10], [sflag:$0x2], $0x200, $0x38;
	[tilespmem:$0xC00] =	vst v63  }
0x2d: {  	s21 =	sshrl.u32 s20, $0x1;
	_ =	swait.ge [sflag:s3], $0x200  }
0x2e: {  	s21 =	ssub.s32 s20, s21;
	[sflag:s3] =	ssyncset.done $0x0  }
0x2f: {  	s19 =	sadd.s32 $0x1800, s16;
	s21 =	smax.u32 s21, $0x1;
	[sflag:s3] =	ssyncadd.s32 $0xFFFFFE00  }
0x30: {  	[hbm4b:s19+s2] =	stream.linear.scatter [tilespmem:s12], [sflag:$0x2], $0x200, $0x38;
	[tilespmem:$0xC00] =	vst v63  }
0x31: {  	p0 =	sne.s32 s21, $0x1;
	_ =	swait.ge [sflag:s3], $0x200  }
.Ltmp0:
0x32: {  	[sflag:s3] =	ssyncset.done $0x0;
	(pc) =	sbr.rel @!p0 .LBB2_2-.Ltmp0, $4  }
0x33: {  	s20 =	sadd.s32 $0x2000, s16;
	[sflag:s3] =	ssyncadd.s32 $0xFFFFFE00  }
0x34: {  	[hbm4b:s20+s2] =	stream.linear.scatter [tilespmem:s14], [sflag:$0x2], $0x200, $0x38;
	[tilespmem:$0xC00] =	vst v63  }
0x35: {  	_ =	swait.ge [sflag:s3], $0x200  }
0x36: {  	s21 =	sadd.s32 $0xFFFFFFFF, s21;
	[sflag:s3] =	ssyncset.done $0x0  }
.LBB2_1:
0x37: {  	p0 =	sne.s32 s21, $0x1;
	s21 =	sadd.s32 $0xFFFFFFFF, s21;
	[sflag:s3] =	ssyncadd.s32 $0xFFFFFE00  }
0x38: {  	[tilespmem:s2], [sflag:$0x2] =	stream.linear.gather [hbm4b:s4+s2], $0x200, $0x38;
	[tilespmem:$0xC00] =	vst v63  }
0x39: {  	_ =	swait.ge [sflag:s3], $0x200  }
0x3a: {  	[sflag:s3] =	ssyncset.done $0x0  }
0x3b: {  	[sflag:s3] =	ssyncadd.s32 $0xFFFFFE00  }
0x3c: {  	[tilespmem:s6], [sflag:$0x1] =	stream.indirect.gather [hbm4b:s5+s6], $0x1, s2, s6, $0xb8;
	[tilespmem:$0xC00] =	vst v63  }
0x3d: {  	_ = 	snop  }
0x3e: {  	[tilespmem:s8], [sflag:$0x1] =	stream.indirect.gather [hbm4b:s7+s6], $0x1, s2, s6, $0xb8;
	[tilespmem:$0xC00] =	vst v63  }
0x3f: {  	_ = 	snop  }
0x40: {  	[tilespmem:s10], [sflag:$0x1] =	stream.indirect.gather [hbm4b:s9+s6], $0x1, s2, s6, $0xb8;
	[tilespmem:$0xC00] =	vst v63  }
0x41: {  	_ = 	snop  }
0x42: {  	[tilespmem:s12], [sflag:$0x1] =	stream.indirect.gather [hbm4b:s11+s6], $0x1, s2, s6, $0xb8;
	[tilespmem:$0xC00] =	vst v63  }
0x43: {  	_ = 	snop  }
0x44: {  	[tilespmem:s14], [sflag:$0x1] =	stream.indirect.gather [hbm4b:s13+s6], $0x1, s2, s6, $0xb8;
	[tilespmem:$0xC00] =	vst v63  }
0x45: {  	_ =	swait.ge [sflag:s15], $0x200  }
0x46: {  	[sflag:s15] =	ssyncset.done $0x0  }
0x47: {  	[sflag:s15] =	ssyncadd.s32 $0xFFFFFE00  }
0x48: {  	_ =	swait.ge [sflag:s15], $0x200  }
0x49: {  	[sflag:s15] =	ssyncset.done $0x0  }
0x4a: {  	[sflag:s15] =	ssyncadd.s32 $0xFFFFFE00  }
0x4b: {  	_ =	swait.ge [sflag:s15], $0x200  }
0x4c: {  	[sflag:s15] =	ssyncset.done $0x0  }
0x4d: {  	[sflag:s15] =	ssyncadd.s32 $0xFFFFFE00  }
0x4e: {  	_ =	swait.ge [sflag:s15], $0x200  }
0x4f: {  	[sflag:s15] =	ssyncset.done $0x0  }
0x50: {  	[sflag:s15] =	ssyncadd.s32 $0xFFFFFE00  }
0x51: {  	_ =	swait.ge [sflag:s15], $0x200  }
0x52: {  	[sflag:s15] =	ssyncset.done $0x0  }
0x53: {  	[sflag:s15] =	ssyncadd.s32 $0xFFFFFE00  }
0x54: {  	[hbm4b:s16+s2] =	stream.linear.scatter [tilespmem:s6], [sflag:$0x2], $0x200, $0x38;
	[tilespmem:$0xC00] =	vst v63  }
0x55: {  	_ =	swait.ge [sflag:s3], $0x200  }
0x56: {  	[sflag:s3] =	ssyncset.done $0x0  }
0x57: {  	[sflag:s3] =	ssyncadd.s32 $0xFFFFFE00  }
0x58: {  	[hbm4b:s17+s2] =	stream.linear.scatter [tilespmem:s8], [sflag:$0x2], $0x200, $0x38;
	[tilespmem:$0xC00] =	vst v63  }
0x59: {  	_ =	swait.ge [sflag:s3], $0x200  }
0x5a: {  	[sflag:s3] =	ssyncset.done $0x0  }
0x5b: {  	[sflag:s3] =	ssyncadd.s32 $0xFFFFFE00  }
0x5c: {  	[hbm4b:s18+s2] =	stream.linear.scatter [tilespmem:s10], [sflag:$0x2], $0x200, $0x38;
	[tilespmem:$0xC00] =	vst v63  }
0x5d: {  	_ =	swait.ge [sflag:s3], $0x200  }
0x5e: {  	[sflag:s3] =	ssyncset.done $0x0  }
0x5f: {  	[sflag:s3] =	ssyncadd.s32 $0xFFFFFE00  }
0x60: {  	[hbm4b:s19+s2] =	stream.linear.scatter [tilespmem:s12], [sflag:$0x2], $0x200, $0x38;
	[tilespmem:$0xC00] =	vst v63  }
0x61: {  	_ =	swait.ge [sflag:s3], $0x200  }
.Ltmp1:
0x62: {  	[sflag:s3] =	ssyncset.done $0x0;
	(pc) =	sbr.rel @p0 .LBB2_1-.Ltmp1, $4  }
0x63: {  	[sflag:s3] =	ssyncadd.s32 $0xFFFFFE00  }
0x64: {  	[hbm4b:s20+s2] =	stream.linear.scatter [tilespmem:s14], [sflag:$0x2], $0x200, $0x38;
	[tilespmem:$0xC00] =	vst v63  }
0x65: {  	_ =	swait.ge [sflag:s3], $0x200  }
0x66: {  	[sflag:s3] =	ssyncset.done $0x0  }
.LBB2_2:
0x67: {  	[sflag:s3] =	ssyncadd.s32 $0xFFFFFE00  }
0x68: {  	_ =	sfence.sel $0x180000  }
0x69: {  	[bflag:$0x0] =	sbarrier.arrive $0xFFFF  }
0x6a: {  	p0 =	sne.s32 s1, $0x0;
	_ =	strace $0x90000047  }
0x6b: {  	s0 =	sadd.s32 @!p0 $0x100000, s0;
	[bflag:$0x2] =	sbarrier.arrive $0xFFFF  }
0x6c: {  	[sflag:s0] =	ssyncadd.tile.s32 @!p0 $0x1;
	_ =	shalt  }
.Lfunc_end2:
_tile_overlayer_lowered:
.L_overlay_start_2:
0x6d: {  	(tag) =	ssettag $0x2  }
0x6e: {  	s0 =	rddreg [dreg:$0x0];
	s2 =	stileid.u32  }
0x6f: {  	s1 =	rddreg [dreg:$0x1];
	p0 =	sne.s32 s2, $0x0  }
0x70: {  	s3 =	rddreg [dreg:$0x2];
	[bflag:$0x3] =	sbarrier.arrive $0xFFFF;
	s2 =	simm.s32 @!p0 $0x1C02  }
0x71: {  	[timem:s3], [sflag:s2] =	dma.local @!p0 [hbm:s0], s1  }
0x72: {  	s0 =	simm.s32 @!p0 $0x2  }
0x73: {  	_ =	swait.ge @!p0 [sflag:s0], s1  }
0x74: {  	s1 =	ssub.s32 @!p0 $0x0, s1;
	[sflag:s0] =	ssyncset.done @!p0 $0x0  }
0x75: {  	[sflag:s0] =	ssyncadd.s32 @!p0 s1  }
0x76: {  	[bflag:$0x3] =	sbarrier.arrive $0xFFFF  }
0x77: {  	_ =	shalt  }

</sc_bundles>
